<compile_context>
chip_gen: v7x
topology: tpu7x:2x2x1
jax: 0.10.2.dev20260603
libtpu: 0.0.44.dev20260713+nightly
codegen_flags: <defaults>
</compile_context>

<pallas_src>
import functools

import jax
import jax.numpy as jnp
from jax import lax
from jax.experimental import pallas as pl
from jax.experimental.pallas import tpu as pltpu
from jax.experimental.pallas import tpu_sc as plsc

_BATCH = 16384
_EMBED = 64
_NUM_CORES = 2
_NUM_SUBCORES = 16
_NW = _NUM_CORES * _NUM_SUBCORES
_BPW = _BATCH // _NW
_CHUNK = 128
_NCHUNK = _BPW // _CHUNK

_mesh = plsc.VectorSubcoreMesh(core_axis_name="c", subcore_axis_name="s")


@functools.partial(
    pl.kernel,
    mesh=_mesh,
    compiler_params=pltpu.CompilerParams(
        needs_layout_passes=False, use_tc_tiling_on_sc=False),
    out_type=jax.ShapeDtypeStruct((_BATCH,), jnp.float32),
    scratch_types=[
        pltpu.VMEM((_NCHUNK, _CHUNK), jnp.int32),
        pltpu.VMEM((_NCHUNK, _CHUNK), jnp.int32),
        pltpu.VMEM((_BPW, _EMBED), jnp.float32),
        pltpu.VMEM((_BPW, _EMBED), jnp.float32),
        pltpu.VMEM((_BPW,), jnp.float32),
        pltpu.SemaphoreType.DMA,
    ],
)
def _sc_kernel(uid_hbm, iid_hbm, ut_hbm, it_hbm, out_hbm,
               uid_v, iid_v, urows, irows, out_v, sem):
    wid = lax.axis_index("s") * _NUM_CORES + lax.axis_index("c")
    base = wid * _BPW

    for j in range(_NCHUNK):
        pltpu.sync_copy(uid_hbm.at[pl.ds(base + j * _CHUNK, _CHUNK)],
                        uid_v.at[j])
        pltpu.sync_copy(iid_hbm.at[pl.ds(base + j * _CHUNK, _CHUNK)],
                        iid_v.at[j])

    copies = []
    for j in range(_NCHUNK):
        copies.append(pltpu.async_copy(
            ut_hbm.at[uid_v.at[j]], urows.at[pl.ds(j * _CHUNK, _CHUNK)], sem))
        copies.append(pltpu.async_copy(
            it_hbm.at[iid_v.at[j]], irows.at[pl.ds(j * _CHUNK, _CHUNK)], sem))
    for c in copies:
        c.wait()

    lane = lax.iota(jnp.int32, 16)

    def group_body(g, carry):
        acc = jnp.zeros((16,), jnp.float32)
        for r in range(16):
            row = g * 16 + r
            p = jnp.zeros((16,), jnp.float32)
            for c in range(_EMBED // 16):
                u = urows[row, pl.ds(c * 16, 16)]
                v = irows[row, pl.ds(c * 16, 16)]
                p = p + u * v
            acc = jnp.where(lane == r, jnp.sum(p), acc)
        out_v[pl.ds(g * 16, 16)] = acc
        return carry

    lax.fori_loop(0, _BPW // 16, group_body, 0)

    pltpu.sync_copy(out_v, out_hbm.at[pl.ds(base, _BPW)])


def kernel(user_ids, item_ids, user_table, item_table):
    return _sc_kernel(user_ids, item_ids, user_table, item_table)

# --- scband reference (transcript-rebuilt; emitter-appended) ---
"""Pipeline reference for scband-recommender-model-20796231647460 (READ-ONLY COPY).

The authoritative reference and input builder live on the scoring server;
editing this copy changes nothing except your own understanding.
"""

import jax, jax.numpy as jnp
import numpy as np

NUM_USERS = 1000000
NUM_ITEMS = 1000000
EMBED_DIM = 64
BATCH = 16384

def setup_inputs(seed: int = 0) -> dict:
    key = jax.random.key(seed)
    k1, k2, k3, k4 = jax.random.split(key, 4)
    user_ids = jax.random.randint(k1, (BATCH,), 0, NUM_USERS, dtype=jnp.int64) if jax.config.jax_enable_x64 else jax.random.randint(k1, (BATCH,), 0, NUM_USERS, dtype=jnp.int32)
    item_ids = jax.random.randint(k2, (BATCH,), 0, NUM_ITEMS, dtype=jnp.int64) if jax.config.jax_enable_x64 else jax.random.randint(k2, (BATCH,), 0, NUM_ITEMS, dtype=jnp.int32)
    user_table = jax.random.normal(k3, (NUM_USERS, EMBED_DIM), dtype=jnp.float32)
    item_table = jax.random.normal(k4, (NUM_ITEMS, EMBED_DIM), dtype=jnp.float32)
    return {"user_ids": user_ids, "item_ids": item_ids, "user_table": user_table, "item_table": item_table}

def reference(user_ids, item_ids, user_table, item_table):
    user_embeds = jnp.take(user_table, user_ids, axis=0)
    item_embeds = jnp.take(item_table, item_ids, axis=0)
    return jnp.sum(user_embeds * item_embeds, axis=1)

if __name__ == "__main__":
    import jax
    _d = setup_inputs()
    print(jax.jit(kernel)(*tuple(_d.values())))

</pallas_src>

<mosaic_0001>
#map = affine_map<(d0, d1) -> (0)>
#map1 = affine_map<(d0, d1) -> (0, 0)>
module attributes {stable_mosaic.version = 14 : i64} {
  func.func @_sc_kernel(%arg0: i32, %arg1: i32, %arg2: memref<16384xi32, #tpu.memory_space<hbm>>, %arg3: memref<16384xi32, #tpu.memory_space<hbm>>, %arg4: memref<1000000x64xf32, #tpu.memory_space<hbm>>, %arg5: memref<1000000x64xf32, #tpu.memory_space<hbm>>, %arg6: memref<16384xf32, #tpu.memory_space<hbm>>, %arg7: memref<4x128xi32, #tpu.memory_space<vmem>>, %arg8: memref<4x128xi32, #tpu.memory_space<vmem>>, %arg9: memref<512x64xf32, #tpu.memory_space<vmem>>, %arg10: memref<512x64xf32, #tpu.memory_space<vmem>>, %arg11: memref<512xf32, #tpu.memory_space<vmem>>, %arg12: memref<!tpu.dma_semaphore, #tpu.memory_space<semaphore_mem>>) attributes {dimension_semantics = [#tpu.dimension_semantics<core_parallel>, #tpu.dimension_semantics<subcore_parallel>], iteration_bounds = array<i64: 2, 16>, scalar_prefetch = 0 : i64, scratch_operands = 6 : i64, tpu.core_type = #tpu.core_type<sc_vector_subcore>, window_params = [{transform_indices = #map}, {transform_indices = #map}, {transform_indices = #map1}, {transform_indices = #map1}, {transform_indices = #map}]} {
    %mul3A = arith.constant 2 : i32
    %mul3A_0 = arith.muli %arg1, %mul3A : i32
    %add3A = arith.addi %mul3A_0, %arg0 : i32
    %mul3A_1 = arith.constant 512 : i32
    %mul3A_2 = arith.muli %add3A, %mul3A_1 : i32
    %add3A_3 = arith.constant 0 : i32
    %add3A_4 = arith.addi %mul3A_2, %add3A_3 : i32
    %run_scoped3A = arith.constant 0 : i32
    "tpu.region"() ({
      %run_scoped3A_189 = tpu.sem_alloc : memref<!tpu.dma_semaphore, #tpu.memory_space<semaphore_mem>>
      %dma_start3A_190 = arith.constant 0 : i32
      %dma_start3A_191 = tpu.memref_slice %arg7[%run_scoped3A, %dma_start3A_190] : memref<4x128xi32, #tpu.memory_space<vmem>> -> memref<1x128xi32, #tpu.memory_space<vmem>>
      %dma_start3A_192 = tpu.memref_squeeze %dma_start3A_191 : memref<1x128xi32, #tpu.memory_space<vmem>> -> memref<128xi32, #tpu.memory_space<vmem>>
      %dma_start3A_193 = tpu.memref_slice %arg2[%add3A_4] : memref<16384xi32, #tpu.memory_space<hbm>> -> memref<128xi32, #tpu.memory_space<hbm>>
      %dma_start3A_194 = arith.constant 0 : i32
      %dma_start3A_195 = tpu.memref_slice %arg7[%run_scoped3A, %dma_start3A_194] : memref<4x128xi32, #tpu.memory_space<vmem>> -> memref<1x128xi32, #tpu.memory_space<vmem>>
      %dma_start3A_196 = tpu.memref_squeeze %dma_start3A_195 : memref<1x128xi32, #tpu.memory_space<vmem>> -> memref<128xi32, #tpu.memory_space<vmem>>
      %dma_start3A_197 = tpu.memref_slice %arg2[%add3A_4] : memref<16384xi32, #tpu.memory_space<hbm>> -> memref<128xi32, #tpu.memory_space<hbm>>
      tpu.enqueue_dma source(%dma_start3A_197 : memref<128xi32, #tpu.memory_space<hbm>>) target(%dma_start3A_196 : memref<128xi32, #tpu.memory_space<vmem>>) target_semaphore(%run_scoped3A_189 : memref<!tpu.dma_semaphore, #tpu.memory_space<semaphore_mem>>)
      %dma_wait3A_198 = arith.constant 0 : i32
      %dma_wait3A_199 = tpu.memref_slice %arg7[%run_scoped3A, %dma_wait3A_198] : memref<4x128xi32, #tpu.memory_space<vmem>> -> memref<1x128xi32, #tpu.memory_space<vmem>>
      %dma_wait3A_200 = tpu.memref_squeeze %dma_wait3A_199 : memref<1x128xi32, #tpu.memory_space<vmem>> -> memref<128xi32, #tpu.memory_space<vmem>>
      %dma_wait3A_201 = tpu.memref_slice %arg2[%add3A_4] : memref<16384xi32, #tpu.memory_space<hbm>> -> memref<128xi32, #tpu.memory_space<hbm>>
      %dma_wait3A_202 = arith.constant 0 : i32
      %dma_wait3A_203 = tpu.memref_slice %arg7[%run_scoped3A, %dma_wait3A_202] : memref<4x128xi32, #tpu.memory_space<vmem>> -> memref<1x128xi32, #tpu.memory_space<vmem>>
      %dma_wait3A_204 = tpu.memref_squeeze %dma_wait3A_203 : memref<1x128xi32, #tpu.memory_space<vmem>> -> memref<128xi32, #tpu.memory_space<vmem>>
      %dma_wait3A_205 = tpu.memref_slice %arg2[%add3A_4] : memref<16384xi32, #tpu.memory_space<hbm>> -> memref<128xi32, #tpu.memory_space<hbm>>
      tpu.wait_dma2 semaphore(%run_scoped3A_189 : memref<!tpu.dma_semaphore, #tpu.memory_space<semaphore_mem>>) src(%dma_wait3A_205 : memref<128xi32, #tpu.memory_space<hbm>>) dst(%dma_wait3A_204 : memref<128xi32, #tpu.memory_space<vmem>>)
      tpu.yield
    }) : () -> ()
    %add3A_5 = arith.constant 0 : i32
    %add3A_6 = arith.addi %mul3A_2, %add3A_5 : i32
    %run_scoped3A_7 = arith.constant 0 : i32
    "tpu.region"() ({
      %run_scoped3A_189 = tpu.sem_alloc : memref<!tpu.dma_semaphore, #tpu.memory_space<semaphore_mem>>
      %dma_start3A_190 = arith.constant 0 : i32
      %dma_start3A_191 = tpu.memref_slice %arg8[%run_scoped3A_7, %dma_start3A_190] : memref<4x128xi32, #tpu.memory_space<vmem>> -> memref<1x128xi32, #tpu.memory_space<vmem>>
      %dma_start3A_192 = tpu.memref_squeeze %dma_start3A_191 : memref<1x128xi32, #tpu.memory_space<vmem>> -> memref<128xi32, #tpu.memory_space<vmem>>
      %dma_start3A_193 = tpu.memref_slice %arg3[%add3A_6] : memref<16384xi32, #tpu.memory_space<hbm>> -> memref<128xi32, #tpu.memory_space<hbm>>
      %dma_start3A_194 = arith.constant 0 : i32
      %dma_start3A_195 = tpu.memref_slice %arg8[%run_scoped3A_7, %dma_start3A_194] : memref<4x128xi32, #tpu.memory_space<vmem>> -> memref<1x128xi32, #tpu.memory_space<vmem>>
      %dma_start3A_196 = tpu.memref_squeeze %dma_start3A_195 : memref<1x128xi32, #tpu.memory_space<vmem>> -> memref<128xi32, #tpu.memory_space<vmem>>
      %dma_start3A_197 = tpu.memref_slice %arg3[%add3A_6] : memref<16384xi32, #tpu.memory_space<hbm>> -> memref<128xi32, #tpu.memory_space<hbm>>
      tpu.enqueue_dma source(%dma_start3A_197 : memref<128xi32, #tpu.memory_space<hbm>>) target(%dma_start3A_196 : memref<128xi32, #tpu.memory_space<vmem>>) target_semaphore(%run_scoped3A_189 : memref<!tpu.dma_semaphore, #tpu.memory_space<semaphore_mem>>)
      %dma_wait3A_198 = arith.constant 0 : i32
      %dma_wait3A_199 = tpu.memref_slice %arg8[%run_scoped3A_7, %dma_wait3A_198] : memref<4x128xi32, #tpu.memory_space<vmem>> -> memref<1x128xi32, #tpu.memory_space<vmem>>
      %dma_wait3A_200 = tpu.memref_squeeze %dma_wait3A_199 : memref<1x128xi32, #tpu.memory_space<vmem>> -> memref<128xi32, #tpu.memory_space<vmem>>
      %dma_wait3A_201 = tpu.memref_slice %arg3[%add3A_6] : memref<16384xi32, #tpu.memory_space<hbm>> -> memref<128xi32, #tpu.memory_space<hbm>>
      %dma_wait3A_202 = arith.constant 0 : i32
      %dma_wait3A_203 = tpu.memref_slice %arg8[%run_scoped3A_7, %dma_wait3A_202] : memref<4x128xi32, #tpu.memory_space<vmem>> -> memref<1x128xi32, #tpu.memory_space<vmem>>
      %dma_wait3A_204 = tpu.memref_squeeze %dma_wait3A_203 : memref<1x128xi32, #tpu.memory_space<vmem>> -> memref<128xi32, #tpu.memory_space<vmem>>
      %dma_wait3A_205 = tpu.memref_slice %arg3[%add3A_6] : memref<16384xi32, #tpu.memory_space<hbm>> -> memref<128xi32, #tpu.memory_space<hbm>>
      tpu.wait_dma2 semaphore(%run_scoped3A_189 : memref<!tpu.dma_semaphore, #tpu.memory_space<semaphore_mem>>) src(%dma_wait3A_205 : memref<128xi32, #tpu.memory_space<hbm>>) dst(%dma_wait3A_204 : memref<128xi32, #tpu.memory_space<vmem>>)
      tpu.yield
    }) : () -> ()
    %add3A_8 = arith.constant 128 : i32
    %add3A_9 = arith.addi %mul3A_2, %add3A_8 : i32
    %run_scoped3A_10 = arith.constant 1 : i32
    "tpu.region"() ({
      %run_scoped3A_189 = tpu.sem_alloc : memref<!tpu.dma_semaphore, #tpu.memory_space<semaphore_mem>>
      %dma_start3A_190 = arith.constant 0 : i32
      %dma_start3A_191 = tpu.memref_slice %arg7[%run_scoped3A_10, %dma_start3A_190] : memref<4x128xi32, #tpu.memory_space<vmem>> -> memref<1x128xi32, #tpu.memory_space<vmem>>
      %dma_start3A_192 = tpu.memref_squeeze %dma_start3A_191 : memref<1x128xi32, #tpu.memory_space<vmem>> -> memref<128xi32, #tpu.memory_space<vmem>>
      %dma_start3A_193 = tpu.memref_slice %arg2[%add3A_9] : memref<16384xi32, #tpu.memory_space<hbm>> -> memref<128xi32, #tpu.memory_space<hbm>>
      %dma_start3A_194 = arith.constant 0 : i32
      %dma_start3A_195 = tpu.memref_slice %arg7[%run_scoped3A_10, %dma_start3A_194] : memref<4x128xi32, #tpu.memory_space<vmem>> -> memref<1x128xi32, #tpu.memory_space<vmem>>
      %dma_start3A_196 = tpu.memref_squeeze %dma_start3A_195 : memref<1x128xi32, #tpu.memory_space<vmem>> -> memref<128xi32, #tpu.memory_space<vmem>>
      %dma_start3A_197 = tpu.memref_slice %arg2[%add3A_9] : memref<16384xi32, #tpu.memory_space<hbm>> -> memref<128xi32, #tpu.memory_space<hbm>>
      tpu.enqueue_dma source(%dma_start3A_197 : memref<128xi32, #tpu.memory_space<hbm>>) target(%dma_start3A_196 : memref<128xi32, #tpu.memory_space<vmem>>) target_semaphore(%run_scoped3A_189 : memref<!tpu.dma_semaphore, #tpu.memory_space<semaphore_mem>>)
      %dma_wait3A_198 = arith.constant 0 : i32
      %dma_wait3A_199 = tpu.memref_slice %arg7[%run_scoped3A_10, %dma_wait3A_198] : memref<4x128xi32, #tpu.memory_space<vmem>> -> memref<1x128xi32, #tpu.memory_space<vmem>>
      %dma_wait3A_200 = tpu.memref_squeeze %dma_wait3A_199 : memref<1x128xi32, #tpu.memory_space<vmem>> -> memref<128xi32, #tpu.memory_space<vmem>>
      %dma_wait3A_201 = tpu.memref_slice %arg2[%add3A_9] : memref<16384xi32, #tpu.memory_space<hbm>> -> memref<128xi32, #tpu.memory_space<hbm>>
      %dma_wait3A_202 = arith.constant 0 : i32
      %dma_wait3A_203 = tpu.memref_slice %arg7[%run_scoped3A_10, %dma_wait3A_202] : memref<4x128xi32, #tpu.memory_space<vmem>> -> memref<1x128xi32, #tpu.memory_space<vmem>>
      %dma_wait3A_204 = tpu.memref_squeeze %dma_wait3A_203 : memref<1x128xi32, #tpu.memory_space<vmem>> -> memref<128xi32, #tpu.memory_space<vmem>>
      %dma_wait3A_205 = tpu.memref_slice %arg2[%add3A_9] : memref<16384xi32, #tpu.memory_space<hbm>> -> memref<128xi32, #tpu.memory_space<hbm>>
      tpu.wait_dma2 semaphore(%run_scoped3A_189 : memref<!tpu.dma_semaphore, #tpu.memory_space<semaphore_mem>>) src(%dma_wait3A_205 : memref<128xi32, #tpu.memory_space<hbm>>) dst(%dma_wait3A_204 : memref<128xi32, #tpu.memory_space<vmem>>)
      tpu.yield
    }) : () -> ()
    %add3A_11 = arith.constant 128 : i32
    %add3A_12 = arith.addi %mul3A_2, %add3A_11 : i32
    %run_scoped3A_13 = arith.constant 1 : i32
    "tpu.region"() ({
      %run_scoped3A_189 = tpu.sem_alloc : memref<!tpu.dma_semaphore, #tpu.memory_space<semaphore_mem>>
      %dma_start3A_190 = arith.constant 0 : i32
      %dma_start3A_191 = tpu.memref_slice %arg8[%run_scoped3A_13, %dma_start3A_190] : memref<4x128xi32, #tpu.memory_space<vmem>> -> memref<1x128xi32, #tpu.memory_space<vmem>>
      %dma_start3A_192 = tpu.memref_squeeze %dma_start3A_191 : memref<1x128xi32, #tpu.memory_space<vmem>> -> memref<128xi32, #tpu.memory_space<vmem>>
      %dma_start3A_193 = tpu.memref_slice %arg3[%add3A_12] : memref<16384xi32, #tpu.memory_space<hbm>> -> memref<128xi32, #tpu.memory_space<hbm>>
      %dma_start3A_194 = arith.constant 0 : i32
      %dma_start3A_195 = tpu.memref_slice %arg8[%run_scoped3A_13, %dma_start3A_194] : memref<4x128xi32, #tpu.memory_space<vmem>> -> memref<1x128xi32, #tpu.memory_space<vmem>>
      %dma_start3A_196 = tpu.memref_squeeze %dma_start3A_195 : memref<1x128xi32, #tpu.memory_space<vmem>> -> memref<128xi32, #tpu.memory_space<vmem>>
      %dma_start3A_197 = tpu.memref_slice %arg3[%add3A_12] : memref<16384xi32, #tpu.memory_space<hbm>> -> memref<128xi32, #tpu.memory_space<hbm>>
      tpu.enqueue_dma source(%dma_start3A_197 : memref<128xi32, #tpu.memory_space<hbm>>) target(%dma_start3A_196 : memref<128xi32, #tpu.memory_space<vmem>>) target_semaphore(%run_scoped3A_189 : memref<!tpu.dma_semaphore, #tpu.memory_space<semaphore_mem>>)
      %dma_wait3A_198 = arith.constant 0 : i32
      %dma_wait3A_199 = tpu.memref_slice %arg8[%run_scoped3A_13, %dma_wait3A_198] : memref<4x128xi32, #tpu.memory_space<vmem>> -> memref<1x128xi32, #tpu.memory_space<vmem>>
      %dma_wait3A_200 = tpu.memref_squeeze %dma_wait3A_199 : memref<1x128xi32, #tpu.memory_space<vmem>> -> memref<128xi32, #tpu.memory_space<vmem>>
      %dma_wait3A_201 = tpu.memref_slice %arg3[%add3A_12] : memref<16384xi32, #tpu.memory_space<hbm>> -> memref<128xi32, #tpu.memory_space<hbm>>
      %dma_wait3A_202 = arith.constant 0 : i32
      %dma_wait3A_203 = tpu.memref_slice %arg8[%run_scoped3A_13, %dma_wait3A_202] : memref<4x128xi32, #tpu.memory_space<vmem>> -> memref<1x128xi32, #tpu.memory_space<vmem>>
      %dma_wait3A_204 = tpu.memref_squeeze %dma_wait3A_203 : memref<1x128xi32, #tpu.memory_space<vmem>> -> memref<128xi32, #tpu.memory_space<vmem>>
      %dma_wait3A_205 = tpu.memref_slice %arg3[%add3A_12] : memref<16384xi32, #tpu.memory_space<hbm>> -> memref<128xi32, #tpu.memory_space<hbm>>
      tpu.wait_dma2 semaphore(%run_scoped3A_189 : memref<!tpu.dma_semaphore, #tpu.memory_space<semaphore_mem>>) src(%dma_wait3A_205 : memref<128xi32, #tpu.memory_space<hbm>>) dst(%dma_wait3A_204 : memref<128xi32, #tpu.memory_space<vmem>>)
      tpu.yield
    }) : () -> ()
    %add3A_14 = arith.constant 256 : i32
    %add3A_15 = arith.addi %mul3A_2, %add3A_14 : i32
    %run_scoped3A_16 = arith.constant 2 : i32
    "tpu.region"() ({
      %run_scoped3A_189 = tpu.sem_alloc : memref<!tpu.dma_semaphore, #tpu.memory_space<semaphore_mem>>
      %dma_start3A_190 = arith.constant 0 : i32
      %dma_start3A_191 = tpu.memref_slice %arg7[%run_scoped3A_16, %dma_start3A_190] : memref<4x128xi32, #tpu.memory_space<vmem>> -> memref<1x128xi32, #tpu.memory_space<vmem>>
      %dma_start3A_192 = tpu.memref_squeeze %dma_start3A_191 : memref<1x128xi32, #tpu.memory_space<vmem>> -> memref<128xi32, #tpu.memory_space<vmem>>
      %dma_start3A_193 = tpu.memref_slice %arg2[%add3A_15] : memref<16384xi32, #tpu.memory_space<hbm>> -> memref<128xi32, #tpu.memory_space<hbm>>
      %dma_start3A_194 = arith.constant 0 : i32
      %dma_start3A_195 = tpu.memref_slice %arg7[%run_scoped3A_16, %dma_start3A_194] : memref<4x128xi32, #tpu.memory_space<vmem>> -> memref<1x128xi32, #tpu.memory_space<vmem>>
      %dma_start3A_196 = tpu.memref_squeeze %dma_start3A_195 : memref<1x128xi32, #tpu.memory_space<vmem>> -> memref<128xi32, #tpu.memory_space<vmem>>
      %dma_start3A_197 = tpu.memref_slice %arg2[%add3A_15] : memref<16384xi32, #tpu.memory_space<hbm>> -> memref<128xi32, #tpu.memory_space<hbm>>
      tpu.enqueue_dma source(%dma_start3A_197 : memref<128xi32, #tpu.memory_space<hbm>>) target(%dma_start3A_196 : memref<128xi32, #tpu.memory_space<vmem>>) target_semaphore(%run_scoped3A_189 : memref<!tpu.dma_semaphore, #tpu.memory_space<semaphore_mem>>)
      %dma_wait3A_198 = arith.constant 0 : i32
      %dma_wait3A_199 = tpu.memref_slice %arg7[%run_scoped3A_16, %dma_wait3A_198] : memref<4x128xi32, #tpu.memory_space<vmem>> -> memref<1x128xi32, #tpu.memory_space<vmem>>
      %dma_wait3A_200 = tpu.memref_squeeze %dma_wait3A_199 : memref<1x128xi32, #tpu.memory_space<vmem>> -> memref<128xi32, #tpu.memory_space<vmem>>
      %dma_wait3A_201 = tpu.memref_slice %arg2[%add3A_15] : memref<16384xi32, #tpu.memory_space<hbm>> -> memref<128xi32, #tpu.memory_space<hbm>>
      %dma_wait3A_202 = arith.constant 0 : i32
      %dma_wait3A_203 = tpu.memref_slice %arg7[%run_scoped3A_16, %dma_wait3A_202] : memref<4x128xi32, #tpu.memory_space<vmem>> -> memref<1x128xi32, #tpu.memory_space<vmem>>
      %dma_wait3A_204 = tpu.memref_squeeze %dma_wait3A_203 : memref<1x128xi32, #tpu.memory_space<vmem>> -> memref<128xi32, #tpu.memory_space<vmem>>
      %dma_wait3A_205 = tpu.memref_slice %arg2[%add3A_15] : memref<16384xi32, #tpu.memory_space<hbm>> -> memref<128xi32, #tpu.memory_space<hbm>>
      tpu.wait_dma2 semaphore(%run_scoped3A_189 : memref<!tpu.dma_semaphore, #tpu.memory_space<semaphore_mem>>) src(%dma_wait3A_205 : memref<128xi32, #tpu.memory_space<hbm>>) dst(%dma_wait3A_204 : memref<128xi32, #tpu.memory_space<vmem>>)
      tpu.yield
    }) : () -> ()
    %add3A_17 = arith.constant 256 : i32
    %add3A_18 = arith.addi %mul3A_2, %add3A_17 : i32
    %run_scoped3A_19 = arith.constant 2 : i32
    "tpu.region"() ({
      %run_scoped3A_189 = tpu.sem_alloc : memref<!tpu.dma_semaphore, #tpu.memory_space<semaphore_mem>>
      %dma_start3A_190 = arith.constant 0 : i32
      %dma_start3A_191 = tpu.memref_slice %arg8[%run_scoped3A_19, %dma_start3A_190] : memref<4x128xi32, #tpu.memory_space<vmem>> -> memref<1x128xi32, #tpu.memory_space<vmem>>
      %dma_start3A_192 = tpu.memref_squeeze %dma_start3A_191 : memref<1x128xi32, #tpu.memory_space<vmem>> -> memref<128xi32, #tpu.memory_space<vmem>>
      %dma_start3A_193 = tpu.memref_slice %arg3[%add3A_18] : memref<16384xi32, #tpu.memory_space<hbm>> -> memref<128xi32, #tpu.memory_space<hbm>>
      %dma_start3A_194 = arith.constant 0 : i32
      %dma_start3A_195 = tpu.memref_slice %arg8[%run_scoped3A_19, %dma_start3A_194] : memref<4x128xi32, #tpu.memory_space<vmem>> -> memref<1x128xi32, #tpu.memory_space<vmem>>
      %dma_start3A_196 = tpu.memref_squeeze %dma_start3A_195 : memref<1x128xi32, #tpu.memory_space<vmem>> -> memref<128xi32, #tpu.memory_space<vmem>>
      %dma_start3A_197 = tpu.memref_slice %arg3[%add3A_18] : memref<16384xi32, #tpu.memory_space<hbm>> -> memref<128xi32, #tpu.memory_space<hbm>>
      tpu.enqueue_dma source(%dma_start3A_197 : memref<128xi32, #tpu.memory_space<hbm>>) target(%dma_start3A_196 : memref<128xi32, #tpu.memory_space<vmem>>) target_semaphore(%run_scoped3A_189 : memref<!tpu.dma_semaphore, #tpu.memory_space<semaphore_mem>>)
      %dma_wait3A_198 = arith.constant 0 : i32
      %dma_wait3A_199 = tpu.memref_slice %arg8[%run_scoped3A_19, %dma_wait3A_198] : memref<4x128xi32, #tpu.memory_space<vmem>> -> memref<1x128xi32, #tpu.memory_space<vmem>>
      %dma_wait3A_200 = tpu.memref_squeeze %dma_wait3A_199 : memref<1x128xi32, #tpu.memory_space<vmem>> -> memref<128xi32, #tpu.memory_space<vmem>>
      %dma_wait3A_201 = tpu.memref_slice %arg3[%add3A_18] : memref<16384xi32, #tpu.memory_space<hbm>> -> memref<128xi32, #tpu.memory_space<hbm>>
      %dma_wait3A_202 = arith.constant 0 : i32
      %dma_wait3A_203 = tpu.memref_slice %arg8[%run_scoped3A_19, %dma_wait3A_202] : memref<4x128xi32, #tpu.memory_space<vmem>> -> memref<1x128xi32, #tpu.memory_space<vmem>>
      %dma_wait3A_204 = tpu.memref_squeeze %dma_wait3A_203 : memref<1x128xi32, #tpu.memory_space<vmem>> -> memref<128xi32, #tpu.memory_space<vmem>>
      %dma_wait3A_205 = tpu.memref_slice %arg3[%add3A_18] : memref<16384xi32, #tpu.memory_space<hbm>> -> memref<128xi32, #tpu.memory_space<hbm>>
      tpu.wait_dma2 semaphore(%run_scoped3A_189 : memref<!tpu.dma_semaphore, #tpu.memory_space<semaphore_mem>>) src(%dma_wait3A_205 : memref<128xi32, #tpu.memory_space<hbm>>) dst(%dma_wait3A_204 : memref<128xi32, #tpu.memory_space<vmem>>)
      tpu.yield
    }) : () -> ()
    %add3A_20 = arith.constant 384 : i32
    %add3A_21 = arith.addi %mul3A_2, %add3A_20 : i32
    %run_scoped3A_22 = arith.constant 3 : i32
    "tpu.region"() ({
      %run_scoped3A_189 = tpu.sem_alloc : memref<!tpu.dma_semaphore, #tpu.memory_space<semaphore_mem>>
      %dma_start3A_190 = arith.constant 0 : i32
      %dma_start3A_191 = tpu.memref_slice %arg7[%run_scoped3A_22, %dma_start3A_190] : memref<4x128xi32, #tpu.memory_space<vmem>> -> memref<1x128xi32, #tpu.memory_space<vmem>>
      %dma_start3A_192 = tpu.memref_squeeze %dma_start3A_191 : memref<1x128xi32, #tpu.memory_space<vmem>> -> memref<128xi32, #tpu.memory_space<vmem>>
      %dma_start3A_193 = tpu.memref_slice %arg2[%add3A_21] : memref<16384xi32, #tpu.memory_space<hbm>> -> memref<128xi32, #tpu.memory_space<hbm>>
      %dma_start3A_194 = arith.constant 0 : i32
      %dma_start3A_195 = tpu.memref_slice %arg7[%run_scoped3A_22, %dma_start3A_194] : memref<4x128xi32, #tpu.memory_space<vmem>> -> memref<1x128xi32, #tpu.memory_space<vmem>>
      %dma_start3A_196 = tpu.memref_squeeze %dma_start3A_195 : memref<1x128xi32, #tpu.memory_space<vmem>> -> memref<128xi32, #tpu.memory_space<vmem>>
      %dma_start3A_197 = tpu.memref_slice %arg2[%add3A_21] : memref<16384xi32, #tpu.memory_space<hbm>> -> memref<128xi32, #tpu.memory_space<hbm>>
      tpu.enqueue_dma source(%dma_start3A_197 : memref<128xi32, #tpu.memory_space<hbm>>) target(%dma_start3A_196 : memref<128xi32, #tpu.memory_space<vmem>>) target_semaphore(%run_scoped3A_189 : memref<!tpu.dma_semaphore, #tpu.memory_space<semaphore_mem>>)
      %dma_wait3A_198 = arith.constant 0 : i32
      %dma_wait3A_199 = tpu.memref_slice %arg7[%run_scoped3A_22, %dma_wait3A_198] : memref<4x128xi32, #tpu.memory_space<vmem>> -> memref<1x128xi32, #tpu.memory_space<vmem>>
      %dma_wait3A_200 = tpu.memref_squeeze %dma_wait3A_199 : memref<1x128xi32, #tpu.memory_space<vmem>> -> memref<128xi32, #tpu.memory_space<vmem>>
      %dma_wait3A_201 = tpu.memref_slice %arg2[%add3A_21] : memref<16384xi32, #tpu.memory_space<hbm>> -> memref<128xi32, #tpu.memory_space<hbm>>
      %dma_wait3A_202 = arith.constant 0 : i32
      %dma_wait3A_203 = tpu.memref_slice %arg7[%run_scoped3A_22, %dma_wait3A_202] : memref<4x128xi32, #tpu.memory_space<vmem>> -> memref<1x128xi32, #tpu.memory_space<vmem>>
      %dma_wait3A_204 = tpu.memref_squeeze %dma_wait3A_203 : memref<1x128xi32, #tpu.memory_space<vmem>> -> memref<128xi32, #tpu.memory_space<vmem>>
      %dma_wait3A_205 = tpu.memref_slice %arg2[%add3A_21] : memref<16384xi32, #tpu.memory_space<hbm>> -> memref<128xi32, #tpu.memory_space<hbm>>
      tpu.wait_dma2 semaphore(%run_scoped3A_189 : memref<!tpu.dma_semaphore, #tpu.memory_space<semaphore_mem>>) src(%dma_wait3A_205 : memref<128xi32, #tpu.memory_space<hbm>>) dst(%dma_wait3A_204 : memref<128xi32, #tpu.memory_space<vmem>>)
      tpu.yield
    }) : () -> ()
    %add3A_23 = arith.constant 384 : i32
    %add3A_24 = arith.addi %mul3A_2, %add3A_23 : i32
    %run_scoped3A_25 = arith.constant 3 : i32
    "tpu.region"() ({
      %run_scoped3A_189 = tpu.sem_alloc : memref<!tpu.dma_semaphore, #tpu.memory_space<semaphore_mem>>
      %dma_start3A_190 = arith.constant 0 : i32
      %dma_start3A_191 = tpu.memref_slice %arg8[%run_scoped3A_25, %dma_start3A_190] : memref<4x128xi32, #tpu.memory_space<vmem>> -> memref<1x128xi32, #tpu.memory_space<vmem>>
      %dma_start3A_192 = tpu.memref_squeeze %dma_start3A_191 : memref<1x128xi32, #tpu.memory_space<vmem>> -> memref<128xi32, #tpu.memory_space<vmem>>
      %dma_start3A_193 = tpu.memref_slice %arg3[%add3A_24] : memref<16384xi32, #tpu.memory_space<hbm>> -> memref<128xi32, #tpu.memory_space<hbm>>
      %dma_start3A_194 = arith.constant 0 : i32
      %dma_start3A_195 = tpu.memref_slice %arg8[%run_scoped3A_25, %dma_start3A_194] : memref<4x128xi32, #tpu.memory_space<vmem>> -> memref<1x128xi32, #tpu.memory_space<vmem>>
      %dma_start3A_196 = tpu.memref_squeeze %dma_start3A_195 : memref<1x128xi32, #tpu.memory_space<vmem>> -> memref<128xi32, #tpu.memory_space<vmem>>
      %dma_start3A_197 = tpu.memref_slice %arg3[%add3A_24] : memref<16384xi32, #tpu.memory_space<hbm>> -> memref<128xi32, #tpu.memory_space<hbm>>
      tpu.enqueue_dma source(%dma_start3A_197 : memref<128xi32, #tpu.memory_space<hbm>>) target(%dma_start3A_196 : memref<128xi32, #tpu.memory_space<vmem>>) target_semaphore(%run_scoped3A_189 : memref<!tpu.dma_semaphore, #tpu.memory_space<semaphore_mem>>)
      %dma_wait3A_198 = arith.constant 0 : i32
      %dma_wait3A_199 = tpu.memref_slice %arg8[%run_scoped3A_25, %dma_wait3A_198] : memref<4x128xi32, #tpu.memory_space<vmem>> -> memref<1x128xi32, #tpu.memory_space<vmem>>
      %dma_wait3A_200 = tpu.memref_squeeze %dma_wait3A_199 : memref<1x128xi32, #tpu.memory_space<vmem>> -> memref<128xi32, #tpu.memory_space<vmem>>
      %dma_wait3A_201 = tpu.memref_slice %arg3[%add3A_24] : memref<16384xi32, #tpu.memory_space<hbm>> -> memref<128xi32, #tpu.memory_space<hbm>>
      %dma_wait3A_202 = arith.constant 0 : i32
      %dma_wait3A_203 = tpu.memref_slice %arg8[%run_scoped3A_25, %dma_wait3A_202] : memref<4x128xi32, #tpu.memory_space<vmem>> -> memref<1x128xi32, #tpu.memory_space<vmem>>
      %dma_wait3A_204 = tpu.memref_squeeze %dma_wait3A_203 : memref<1x128xi32, #tpu.memory_space<vmem>> -> memref<128xi32, #tpu.memory_space<vmem>>
      %dma_wait3A_205 = tpu.memref_slice %arg3[%add3A_24] : memref<16384xi32, #tpu.memory_space<hbm>> -> memref<128xi32, #tpu.memory_space<hbm>>
      tpu.wait_dma2 semaphore(%run_scoped3A_189 : memref<!tpu.dma_semaphore, #tpu.memory_space<semaphore_mem>>) src(%dma_wait3A_205 : memref<128xi32, #tpu.memory_space<hbm>>) dst(%dma_wait3A_204 : memref<128xi32, #tpu.memory_space<vmem>>)
      tpu.yield
    }) : () -> ()
    %dma_start3A = arith.constant 0 : i32
    %dma_start3A_26 = arith.constant 0 : i32
    %dma_start3A_27 = arith.constant 0 : i32
    %dma_start3A_28 = tpu.memref_slice %arg9[%dma_start3A_26, %dma_start3A_27] : memref<512x64xf32, #tpu.memory_space<vmem>> -> memref<128x64xf32, #tpu.memory_space<vmem>>
    %dma_start3A_29 = arith.constant 0 : i32
    %dma_start3A_30 = tpu.memref_slice %arg7[%dma_start3A, %dma_start3A_29] : memref<4x128xi32, #tpu.memory_space<vmem>> -> memref<1x128xi32, #tpu.memory_space<vmem>>
    %dma_start3A_31 = tpu.memref_squeeze %dma_start3A_30 : memref<1x128xi32, #tpu.memory_space<vmem>> -> memref<128xi32, #tpu.memory_space<vmem>>
    %dma_start3A_32 = arith.constant 0 : i32
    %dma_start3A_33 = arith.constant 0 : i32
    %dma_start3A_34 = tpu.memref_slice %arg4[%dma_start3A_32, %dma_start3A_33] : memref<1000000x64xf32, #tpu.memory_space<hbm>> -> memref<1000000x64xf32, #tpu.memory_space<hbm>>
    tpu.enqueue_indirect_dma source(%dma_start3A_34 : memref<1000000x64xf32, #tpu.memory_space<hbm>>) target(%dma_start3A_28 : memref<128x64xf32, #tpu.memory_space<vmem>>) offsets(%dma_start3A_31 : memref<128xi32, #tpu.memory_space<vmem>>) semaphore(%arg12 : memref<!tpu.dma_semaphore, #tpu.memory_space<semaphore_mem>>)
    %dma_start3A_35 = arith.constant 0 : i32
    %dma_start3A_36 = arith.constant 0 : i32
    %dma_start3A_37 = arith.constant 0 : i32
    %dma_start3A_38 = tpu.memref_slice %arg10[%dma_start3A_36, %dma_start3A_37] : memref<512x64xf32, #tpu.memory_space<vmem>> -> memref<128x64xf32, #tpu.memory_space<vmem>>
    %dma_start3A_39 = arith.constant 0 : i32
    %dma_start3A_40 = tpu.memref_slice %arg8[%dma_start3A_35, %dma_start3A_39] : memref<4x128xi32, #tpu.memory_space<vmem>> -> memref<1x128xi32, #tpu.memory_space<vmem>>
    %dma_start3A_41 = tpu.memref_squeeze %dma_start3A_40 : memref<1x128xi32, #tpu.memory_space<vmem>> -> memref<128xi32, #tpu.memory_space<vmem>>
    %dma_start3A_42 = arith.constant 0 : i32
    %dma_start3A_43 = arith.constant 0 : i32
    %dma_start3A_44 = tpu.memref_slice %arg5[%dma_start3A_42, %dma_start3A_43] : memref<1000000x64xf32, #tpu.memory_space<hbm>> -> memref<1000000x64xf32, #tpu.memory_space<hbm>>
    tpu.enqueue_indirect_dma source(%dma_start3A_44 : memref<1000000x64xf32, #tpu.memory_space<hbm>>) target(%dma_start3A_38 : memref<128x64xf32, #tpu.memory_space<vmem>>) offsets(%dma_start3A_41 : memref<128xi32, #tpu.memory_space<vmem>>) semaphore(%arg12 : memref<!tpu.dma_semaphore, #tpu.memory_space<semaphore_mem>>)
    %dma_start3A_45 = arith.constant 1 : i32
    %dma_start3A_46 = arith.constant 128 : i32
    %dma_start3A_47 = arith.constant 0 : i32
    %dma_start3A_48 = tpu.memref_slice %arg9[%dma_start3A_46, %dma_start3A_47] : memref<512x64xf32, #tpu.memory_space<vmem>> -> memref<128x64xf32, #tpu.memory_space<vmem>>
    %dma_start3A_49 = arith.constant 0 : i32
    %dma_start3A_50 = tpu.memref_slice %arg7[%dma_start3A_45, %dma_start3A_49] : memref<4x128xi32, #tpu.memory_space<vmem>> -> memref<1x128xi32, #tpu.memory_space<vmem>>
    %dma_start3A_51 = tpu.memref_squeeze %dma_start3A_50 : memref<1x128xi32, #tpu.memory_space<vmem>> -> memref<128xi32, #tpu.memory_space<vmem>>
    %dma_start3A_52 = arith.constant 0 : i32
    %dma_start3A_53 = arith.constant 0 : i32
    %dma_start3A_54 = tpu.memref_slice %arg4[%dma_start3A_52, %dma_start3A_53] : memref<1000000x64xf32, #tpu.memory_space<hbm>> -> memref<1000000x64xf32, #tpu.memory_space<hbm>>
    tpu.enqueue_indirect_dma source(%dma_start3A_54 : memref<1000000x64xf32, #tpu.memory_space<hbm>>) target(%dma_start3A_48 : memref<128x64xf32, #tpu.memory_space<vmem>>) offsets(%dma_start3A_51 : memref<128xi32, #tpu.memory_space<vmem>>) semaphore(%arg12 : memref<!tpu.dma_semaphore, #tpu.memory_space<semaphore_mem>>)
    %dma_start3A_55 = arith.constant 1 : i32
    %dma_start3A_56 = arith.constant 128 : i32
    %dma_start3A_57 = arith.constant 0 : i32
    %dma_start3A_58 = tpu.memref_slice %arg10[%dma_start3A_56, %dma_start3A_57] : memref<512x64xf32, #tpu.memory_space<vmem>> -> memref<128x64xf32, #tpu.memory_space<vmem>>
    %dma_start3A_59 = arith.constant 0 : i32
    %dma_start3A_60 = tpu.memref_slice %arg8[%dma_start3A_55, %dma_start3A_59] : memref<4x128xi32, #tpu.memory_space<vmem>> -> memref<1x128xi32, #tpu.memory_space<vmem>>
    %dma_start3A_61 = tpu.memref_squeeze %dma_start3A_60 : memref<1x128xi32, #tpu.memory_space<vmem>> -> memref<128xi32, #tpu.memory_space<vmem>>
    %dma_start3A_62 = arith.constant 0 : i32
    %dma_start3A_63 = arith.constant 0 : i32
    %dma_start3A_64 = tpu.memref_slice %arg5[%dma_start3A_62, %dma_start3A_63] : memref<1000000x64xf32, #tpu.memory_space<hbm>> -> memref<1000000x64xf32, #tpu.memory_space<hbm>>
    tpu.enqueue_indirect_dma source(%dma_start3A_64 : memref<1000000x64xf32, #tpu.memory_space<hbm>>) target(%dma_start3A_58 : memref<128x64xf32, #tpu.memory_space<vmem>>) offsets(%dma_start3A_61 : memref<128xi32, #tpu.memory_space<vmem>>) semaphore(%arg12 : memref<!tpu.dma_semaphore, #tpu.memory_space<semaphore_mem>>)
    %dma_start3A_65 = arith.constant 2 : i32
    %dma_start3A_66 = arith.constant 256 : i32
    %dma_start3A_67 = arith.constant 0 : i32
    %dma_start3A_68 = tpu.memref_slice %arg9[%dma_start3A_66, %dma_start3A_67] : memref<512x64xf32, #tpu.memory_space<vmem>> -> memref<128x64xf32, #tpu.memory_space<vmem>>
    %dma_start3A_69 = arith.constant 0 : i32
    %dma_start3A_70 = tpu.memref_slice %arg7[%dma_start3A_65, %dma_start3A_69] : memref<4x128xi32, #tpu.memory_space<vmem>> -> memref<1x128xi32, #tpu.memory_space<vmem>>
    %dma_start3A_71 = tpu.memref_squeeze %dma_start3A_70 : memref<1x128xi32, #tpu.memory_space<vmem>> -> memref<128xi32, #tpu.memory_space<vmem>>
    %dma_start3A_72 = arith.constant 0 : i32
    %dma_start3A_73 = arith.constant 0 : i32
    %dma_start3A_74 = tpu.memref_slice %arg4[%dma_start3A_72, %dma_start3A_73] : memref<1000000x64xf32, #tpu.memory_space<hbm>> -> memref<1000000x64xf32, #tpu.memory_space<hbm>>
    tpu.enqueue_indirect_dma source(%dma_start3A_74 : memref<1000000x64xf32, #tpu.memory_space<hbm>>) target(%dma_start3A_68 : memref<128x64xf32, #tpu.memory_space<vmem>>) offsets(%dma_start3A_71 : memref<128xi32, #tpu.memory_space<vmem>>) semaphore(%arg12 : memref<!tpu.dma_semaphore, #tpu.memory_space<semaphore_mem>>)
    %dma_start3A_75 = arith.constant 2 : i32
    %dma_start3A_76 = arith.constant 256 : i32
    %dma_start3A_77 = arith.constant 0 : i32
    %dma_start3A_78 = tpu.memref_slice %arg10[%dma_start3A_76, %dma_start3A_77] : memref<512x64xf32, #tpu.memory_space<vmem>> -> memref<128x64xf32, #tpu.memory_space<vmem>>
    %dma_start3A_79 = arith.constant 0 : i32
    %dma_start3A_80 = tpu.memref_slice %arg8[%dma_start3A_75, %dma_start3A_79] : memref<4x128xi32, #tpu.memory_space<vmem>> -> memref<1x128xi32, #tpu.memory_space<vmem>>
    %dma_start3A_81 = tpu.memref_squeeze %dma_start3A_80 : memref<1x128xi32, #tpu.memory_space<vmem>> -> memref<128xi32, #tpu.memory_space<vmem>>
    %dma_start3A_82 = arith.constant 0 : i32
    %dma_start3A_83 = arith.constant 0 : i32
    %dma_start3A_84 = tpu.memref_slice %arg5[%dma_start3A_82, %dma_start3A_83] : memref<1000000x64xf32, #tpu.memory_space<hbm>> -> memref<1000000x64xf32, #tpu.memory_space<hbm>>
    tpu.enqueue_indirect_dma source(%dma_start3A_84 : memref<1000000x64xf32, #tpu.memory_space<hbm>>) target(%dma_start3A_78 : memref<128x64xf32, #tpu.memory_space<vmem>>) offsets(%dma_start3A_81 : memref<128xi32, #tpu.memory_space<vmem>>) semaphore(%arg12 : memref<!tpu.dma_semaphore, #tpu.memory_space<semaphore_mem>>)
    %dma_start3A_85 = arith.constant 3 : i32
    %dma_start3A_86 = arith.constant 384 : i32
    %dma_start3A_87 = arith.constant 0 : i32
    %dma_start3A_88 = tpu.memref_slice %arg9[%dma_start3A_86, %dma_start3A_87] : memref<512x64xf32, #tpu.memory_space<vmem>> -> memref<128x64xf32, #tpu.memory_space<vmem>>
    %dma_start3A_89 = arith.constant 0 : i32
    %dma_start3A_90 = tpu.memref_slice %arg7[%dma_start3A_85, %dma_start3A_89] : memref<4x128xi32, #tpu.memory_space<vmem>> -> memref<1x128xi32, #tpu.memory_space<vmem>>
    %dma_start3A_91 = tpu.memref_squeeze %dma_start3A_90 : memref<1x128xi32, #tpu.memory_space<vmem>> -> memref<128xi32, #tpu.memory_space<vmem>>
    %dma_start3A_92 = arith.constant 0 : i32
    %dma_start3A_93 = arith.constant 0 : i32
    %dma_start3A_94 = tpu.memref_slice %arg4[%dma_start3A_92, %dma_start3A_93] : memref<1000000x64xf32, #tpu.memory_space<hbm>> -> memref<1000000x64xf32, #tpu.memory_space<hbm>>
    tpu.enqueue_indirect_dma source(%dma_start3A_94 : memref<1000000x64xf32, #tpu.memory_space<hbm>>) target(%dma_start3A_88 : memref<128x64xf32, #tpu.memory_space<vmem>>) offsets(%dma_start3A_91 : memref<128xi32, #tpu.memory_space<vmem>>) semaphore(%arg12 : memref<!tpu.dma_semaphore, #tpu.memory_space<semaphore_mem>>)
    %dma_start3A_95 = arith.constant 3 : i32
    %dma_start3A_96 = arith.constant 384 : i32
    %dma_start3A_97 = arith.constant 0 : i32
    %dma_start3A_98 = tpu.memref_slice %arg10[%dma_start3A_96, %dma_start3A_97] : memref<512x64xf32, #tpu.memory_space<vmem>> -> memref<128x64xf32, #tpu.memory_space<vmem>>
    %dma_start3A_99 = arith.constant 0 : i32
    %dma_start3A_100 = tpu.memref_slice %arg8[%dma_start3A_95, %dma_start3A_99] : memref<4x128xi32, #tpu.memory_space<vmem>> -> memref<1x128xi32, #tpu.memory_space<vmem>>
    %dma_start3A_101 = tpu.memref_squeeze %dma_start3A_100 : memref<1x128xi32, #tpu.memory_space<vmem>> -> memref<128xi32, #tpu.memory_space<vmem>>
    %dma_start3A_102 = arith.constant 0 : i32
    %dma_start3A_103 = arith.constant 0 : i32
    %dma_start3A_104 = tpu.memref_slice %arg5[%dma_start3A_102, %dma_start3A_103] : memref<1000000x64xf32, #tpu.memory_space<hbm>> -> memref<1000000x64xf32, #tpu.memory_space<hbm>>
    tpu.enqueue_indirect_dma source(%dma_start3A_104 : memref<1000000x64xf32, #tpu.memory_space<hbm>>) target(%dma_start3A_98 : memref<128x64xf32, #tpu.memory_space<vmem>>) offsets(%dma_start3A_101 : memref<128xi32, #tpu.memory_space<vmem>>) semaphore(%arg12 : memref<!tpu.dma_semaphore, #tpu.memory_space<semaphore_mem>>)
    %dma_wait3A = arith.constant 0 : i32
    %dma_wait3A_105 = arith.constant 0 : i32
    %dma_wait3A_106 = arith.constant 0 : i32
    %dma_wait3A_107 = tpu.memref_slice %arg9[%dma_wait3A_105, %dma_wait3A_106] : memref<512x64xf32, #tpu.memory_space<vmem>> -> memref<128x64xf32, #tpu.memory_space<vmem>>
    %dma_wait3A_108 = arith.constant 0 : i32
    %dma_wait3A_109 = tpu.memref_slice %arg7[%dma_wait3A, %dma_wait3A_108] : memref<4x128xi32, #tpu.memory_space<vmem>> -> memref<1x128xi32, #tpu.memory_space<vmem>>
    %dma_wait3A_110 = tpu.memref_squeeze %dma_wait3A_109 : memref<1x128xi32, #tpu.memory_space<vmem>> -> memref<128xi32, #tpu.memory_space<vmem>>
    %dma_wait3A_111 = arith.constant 0 : i32
    %dma_wait3A_112 = arith.constant 0 : i32
    %dma_wait3A_113 = tpu.memref_slice %arg4[%dma_wait3A_111, %dma_wait3A_112] : memref<1000000x64xf32, #tpu.memory_space<hbm>> -> memref<1000000x64xf32, #tpu.memory_space<hbm>>
    tpu.wait_indirect_dma semaphore(%arg12 : memref<!tpu.dma_semaphore, #tpu.memory_space<semaphore_mem>>) src(%dma_wait3A_113 : memref<1000000x64xf32, #tpu.memory_space<hbm>>) dst(%dma_wait3A_107 : memref<128x64xf32, #tpu.memory_space<vmem>>)
    %dma_wait3A_114 = arith.constant 0 : i32
    %dma_wait3A_115 = arith.constant 0 : i32
    %dma_wait3A_116 = arith.constant 0 : i32
    %dma_wait3A_117 = tpu.memref_slice %arg10[%dma_wait3A_115, %dma_wait3A_116] : memref<512x64xf32, #tpu.memory_space<vmem>> -> memref<128x64xf32, #tpu.memory_space<vmem>>
    %dma_wait3A_118 = arith.constant 0 : i32
    %dma_wait3A_119 = tpu.memref_slice %arg8[%dma_wait3A_114, %dma_wait3A_118] : memref<4x128xi32, #tpu.memory_space<vmem>> -> memref<1x128xi32, #tpu.memory_space<vmem>>
    %dma_wait3A_120 = tpu.memref_squeeze %dma_wait3A_119 : memref<1x128xi32, #tpu.memory_space<vmem>> -> memref<128xi32, #tpu.memory_space<vmem>>
    %dma_wait3A_121 = arith.constant 0 : i32
    %dma_wait3A_122 = arith.constant 0 : i32
    %dma_wait3A_123 = tpu.memref_slice %arg5[%dma_wait3A_121, %dma_wait3A_122] : memref<1000000x64xf32, #tpu.memory_space<hbm>> -> memref<1000000x64xf32, #tpu.memory_space<hbm>>
    tpu.wait_indirect_dma semaphore(%arg12 : memref<!tpu.dma_semaphore, #tpu.memory_space<semaphore_mem>>) src(%dma_wait3A_123 : memref<1000000x64xf32, #tpu.memory_space<hbm>>) dst(%dma_wait3A_117 : memref<128x64xf32, #tpu.memory_space<vmem>>)
    %dma_wait3A_124 = arith.constant 1 : i32
    %dma_wait3A_125 = arith.constant 128 : i32
    %dma_wait3A_126 = arith.constant 0 : i32
    %dma_wait3A_127 = tpu.memref_slice %arg9[%dma_wait3A_125, %dma_wait3A_126] : memref<512x64xf32, #tpu.memory_space<vmem>> -> memref<128x64xf32, #tpu.memory_space<vmem>>
    %dma_wait3A_128 = arith.constant 0 : i32
    %dma_wait3A_129 = tpu.memref_slice %arg7[%dma_wait3A_124, %dma_wait3A_128] : memref<4x128xi32, #tpu.memory_space<vmem>> -> memref<1x128xi32, #tpu.memory_space<vmem>>
    %dma_wait3A_130 = tpu.memref_squeeze %dma_wait3A_129 : memref<1x128xi32, #tpu.memory_space<vmem>> -> memref<128xi32, #tpu.memory_space<vmem>>
    %dma_wait3A_131 = arith.constant 0 : i32
    %dma_wait3A_132 = arith.constant 0 : i32
    %dma_wait3A_133 = tpu.memref_slice %arg4[%dma_wait3A_131, %dma_wait3A_132] : memref<1000000x64xf32, #tpu.memory_space<hbm>> -> memref<1000000x64xf32, #tpu.memory_space<hbm>>
    tpu.wait_indirect_dma semaphore(%arg12 : memref<!tpu.dma_semaphore, #tpu.memory_space<semaphore_mem>>) src(%dma_wait3A_133 : memref<1000000x64xf32, #tpu.memory_space<hbm>>) dst(%dma_wait3A_127 : memref<128x64xf32, #tpu.memory_space<vmem>>)
    %dma_wait3A_134 = arith.constant 1 : i32
    %dma_wait3A_135 = arith.constant 128 : i32
    %dma_wait3A_136 = arith.constant 0 : i32
    %dma_wait3A_137 = tpu.memref_slice %arg10[%dma_wait3A_135, %dma_wait3A_136] : memref<512x64xf32, #tpu.memory_space<vmem>> -> memref<128x64xf32, #tpu.memory_space<vmem>>
    %dma_wait3A_138 = arith.constant 0 : i32
    %dma_wait3A_139 = tpu.memref_slice %arg8[%dma_wait3A_134, %dma_wait3A_138] : memref<4x128xi32, #tpu.memory_space<vmem>> -> memref<1x128xi32, #tpu.memory_space<vmem>>
    %dma_wait3A_140 = tpu.memref_squeeze %dma_wait3A_139 : memref<1x128xi32, #tpu.memory_space<vmem>> -> memref<128xi32, #tpu.memory_space<vmem>>
    %dma_wait3A_141 = arith.constant 0 : i32
    %dma_wait3A_142 = arith.constant 0 : i32
    %dma_wait3A_143 = tpu.memref_slice %arg5[%dma_wait3A_141, %dma_wait3A_142] : memref<1000000x64xf32, #tpu.memory_space<hbm>> -> memref<1000000x64xf32, #tpu.memory_space<hbm>>
    tpu.wait_indirect_dma semaphore(%arg12 : memref<!tpu.dma_semaphore, #tpu.memory_space<semaphore_mem>>) src(%dma_wait3A_143 : memref<1000000x64xf32, #tpu.memory_space<hbm>>) dst(%dma_wait3A_137 : memref<128x64xf32, #tpu.memory_space<vmem>>)
    %dma_wait3A_144 = arith.constant 2 : i32
    %dma_wait3A_145 = arith.constant 256 : i32
    %dma_wait3A_146 = arith.constant 0 : i32
    %dma_wait3A_147 = tpu.memref_slice %arg9[%dma_wait3A_145, %dma_wait3A_146] : memref<512x64xf32, #tpu.memory_space<vmem>> -> memref<128x64xf32, #tpu.memory_space<vmem>>
    %dma_wait3A_148 = arith.constant 0 : i32
    %dma_wait3A_149 = tpu.memref_slice %arg7[%dma_wait3A_144, %dma_wait3A_148] : memref<4x128xi32, #tpu.memory_space<vmem>> -> memref<1x128xi32, #tpu.memory_space<vmem>>
    %dma_wait3A_150 = tpu.memref_squeeze %dma_wait3A_149 : memref<1x128xi32, #tpu.memory_space<vmem>> -> memref<128xi32, #tpu.memory_space<vmem>>
    %dma_wait3A_151 = arith.constant 0 : i32
    %dma_wait3A_152 = arith.constant 0 : i32
    %dma_wait3A_153 = tpu.memref_slice %arg4[%dma_wait3A_151, %dma_wait3A_152] : memref<1000000x64xf32, #tpu.memory_space<hbm>> -> memref<1000000x64xf32, #tpu.memory_space<hbm>>
    tpu.wait_indirect_dma semaphore(%arg12 : memref<!tpu.dma_semaphore, #tpu.memory_space<semaphore_mem>>) src(%dma_wait3A_153 : memref<1000000x64xf32, #tpu.memory_space<hbm>>) dst(%dma_wait3A_147 : memref<128x64xf32, #tpu.memory_space<vmem>>)
    %dma_wait3A_154 = arith.constant 2 : i32
    %dma_wait3A_155 = arith.constant 256 : i32
    %dma_wait3A_156 = arith.constant 0 : i32
    %dma_wait3A_157 = tpu.memref_slice %arg10[%dma_wait3A_155, %dma_wait3A_156] : memref<512x64xf32, #tpu.memory_space<vmem>> -> memref<128x64xf32, #tpu.memory_space<vmem>>
    %dma_wait3A_158 = arith.constant 0 : i32
    %dma_wait3A_159 = tpu.memref_slice %arg8[%dma_wait3A_154, %dma_wait3A_158] : memref<4x128xi32, #tpu.memory_space<vmem>> -> memref<1x128xi32, #tpu.memory_space<vmem>>
    %dma_wait3A_160 = tpu.memref_squeeze %dma_wait3A_159 : memref<1x128xi32, #tpu.memory_space<vmem>> -> memref<128xi32, #tpu.memory_space<vmem>>
    %dma_wait3A_161 = arith.constant 0 : i32
    %dma_wait3A_162 = arith.constant 0 : i32
    %dma_wait3A_163 = tpu.memref_slice %arg5[%dma_wait3A_161, %dma_wait3A_162] : memref<1000000x64xf32, #tpu.memory_space<hbm>> -> memref<1000000x64xf32, #tpu.memory_space<hbm>>
    tpu.wait_indirect_dma semaphore(%arg12 : memref<!tpu.dma_semaphore, #tpu.memory_space<semaphore_mem>>) src(%dma_wait3A_163 : memref<1000000x64xf32, #tpu.memory_space<hbm>>) dst(%dma_wait3A_157 : memref<128x64xf32, #tpu.memory_space<vmem>>)
    %dma_wait3A_164 = arith.constant 3 : i32
    %dma_wait3A_165 = arith.constant 384 : i32
    %dma_wait3A_166 = arith.constant 0 : i32
    %dma_wait3A_167 = tpu.memref_slice %arg9[%dma_wait3A_165, %dma_wait3A_166] : memref<512x64xf32, #tpu.memory_space<vmem>> -> memref<128x64xf32, #tpu.memory_space<vmem>>
    %dma_wait3A_168 = arith.constant 0 : i32
    %dma_wait3A_169 = tpu.memref_slice %arg7[%dma_wait3A_164, %dma_wait3A_168] : memref<4x128xi32, #tpu.memory_space<vmem>> -> memref<1x128xi32, #tpu.memory_space<vmem>>
    %dma_wait3A_170 = tpu.memref_squeeze %dma_wait3A_169 : memref<1x128xi32, #tpu.memory_space<vmem>> -> memref<128xi32, #tpu.memory_space<vmem>>
    %dma_wait3A_171 = arith.constant 0 : i32
    %dma_wait3A_172 = arith.constant 0 : i32
    %dma_wait3A_173 = tpu.memref_slice %arg4[%dma_wait3A_171, %dma_wait3A_172] : memref<1000000x64xf32, #tpu.memory_space<hbm>> -> memref<1000000x64xf32, #tpu.memory_space<hbm>>
    tpu.wait_indirect_dma semaphore(%arg12 : memref<!tpu.dma_semaphore, #tpu.memory_space<semaphore_mem>>) src(%dma_wait3A_173 : memref<1000000x64xf32, #tpu.memory_space<hbm>>) dst(%dma_wait3A_167 : memref<128x64xf32, #tpu.memory_space<vmem>>)
    %dma_wait3A_174 = arith.constant 3 : i32
    %dma_wait3A_175 = arith.constant 384 : i32
    %dma_wait3A_176 = arith.constant 0 : i32
    %dma_wait3A_177 = tpu.memref_slice %arg10[%dma_wait3A_175, %dma_wait3A_176] : memref<512x64xf32, #tpu.memory_space<vmem>> -> memref<128x64xf32, #tpu.memory_space<vmem>>
    %dma_wait3A_178 = arith.constant 0 : i32
    %dma_wait3A_179 = tpu.memref_slice %arg8[%dma_wait3A_174, %dma_wait3A_178] : memref<4x128xi32, #tpu.memory_space<vmem>> -> memref<1x128xi32, #tpu.memory_space<vmem>>
    %dma_wait3A_180 = tpu.memref_squeeze %dma_wait3A_179 : memref<1x128xi32, #tpu.memory_space<vmem>> -> memref<128xi32, #tpu.memory_space<vmem>>
    %dma_wait3A_181 = arith.constant 0 : i32
    %dma_wait3A_182 = arith.constant 0 : i32
    %dma_wait3A_183 = tpu.memref_slice %arg5[%dma_wait3A_181, %dma_wait3A_182] : memref<1000000x64xf32, #tpu.memory_space<hbm>> -> memref<1000000x64xf32, #tpu.memory_space<hbm>>
    tpu.wait_indirect_dma semaphore(%arg12 : memref<!tpu.dma_semaphore, #tpu.memory_space<semaphore_mem>>) src(%dma_wait3A_183 : memref<1000000x64xf32, #tpu.memory_space<hbm>>) dst(%dma_wait3A_177 : memref<128x64xf32, #tpu.memory_space<vmem>>)
    %iota3A = tpu.iota {dimensions = array<i32: 0>} : vector<16xi32>
    %scan3A = arith.constant 0 : i32
    %scan3A_184 = arith.constant 0 : i32
    %scan3A_185 = arith.constant 32 : i32
    %scan3A_186 = arith.addi %scan3A_184, %scan3A_185 : i32
    %scan3A_187 = arith.constant 1 : i32
    scf.for %scan3A_189 = %scan3A_184 to %scan3A_186 step %scan3A_187  : i32 {
      %broadcast_in_dim3A = arith.constant 0.000000e+00 : f32
      %broadcast_in_dim3A_190 = vector.broadcast %broadcast_in_dim3A : f32 to vector<16xf32>
      %mul3A_191 = arith.constant 16 : i32
      %mul3A_192 = arith.muli %scan3A_189, %mul3A_191 : i32
      %add3A_193 = arith.constant 0 : i32
      %add3A_194 = arith.addi %mul3A_192, %add3A_193 : i32
      %broadcast_in_dim3A_195 = arith.constant 0.000000e+00 : f32
      %broadcast_in_dim3A_196 = vector.broadcast %broadcast_in_dim3A_195 : f32 to vector<16xf32>
      %get3A = arith.index_cast %add3A_194 : i32 to index
      %get3A_197 = arith.constant 0 : index
      %get3A_198 = tpu.vector_load %arg9[%get3A, %get3A_197] {strides = array<i32>} : memref<512x64xf32, #tpu.memory_space<vmem>>, vector<16xf32>,
      %get3A_199 = arith.index_cast %add3A_194 : i32 to index
      %get3A_200 = arith.constant 0 : index
      %get3A_201 = tpu.vector_load %arg10[%get3A_199, %get3A_200] {strides = array<i32>} : memref<512x64xf32, #tpu.memory_space<vmem>>, vector<16xf32>,
      %mul3A_202 = arith.mulf %get3A_198, %get3A_201 : vector<16xf32>
      %add3A_203 = arith.addf %broadcast_in_dim3A_196, %mul3A_202 : vector<16xf32>
      %get3A_204 = arith.index_cast %add3A_194 : i32 to index
      %get3A_205 = arith.constant 16 : index
      %get3A_206 = tpu.vector_load %arg9[%get3A_204, %get3A_205] {strides = array<i32>} : memref<512x64xf32, #tpu.memory_space<vmem>>, vector<16xf32>,
      %get3A_207 = arith.index_cast %add3A_194 : i32 to index
      %get3A_208 = arith.constant 16 : index
      %get3A_209 = tpu.vector_load %arg10[%get3A_207, %get3A_208] {strides = array<i32>} : memref<512x64xf32, #tpu.memory_space<vmem>>, vector<16xf32>,
      %mul3A_210 = arith.mulf %get3A_206, %get3A_209 : vector<16xf32>
      %add3A_211 = arith.addf %add3A_203, %mul3A_210 : vector<16xf32>
      %get3A_212 = arith.index_cast %add3A_194 : i32 to index
      %get3A_213 = arith.constant 32 : index
      %get3A_214 = tpu.vector_load %arg9[%get3A_212, %get3A_213] {strides = array<i32>} : memref<512x64xf32, #tpu.memory_space<vmem>>, vector<16xf32>,
      %get3A_215 = arith.index_cast %add3A_194 : i32 to index
      %get3A_216 = arith.constant 32 : index
      %get3A_217 = tpu.vector_load %arg10[%get3A_215, %get3A_216] {strides = array<i32>} : memref<512x64xf32, #tpu.memory_space<vmem>>, vector<16xf32>,
      %mul3A_218 = arith.mulf %get3A_214, %get3A_217 : vector<16xf32>
      %add3A_219 = arith.addf %add3A_211, %mul3A_218 : vector<16xf32>
      %get3A_220 = arith.index_cast %add3A_194 : i32 to index
      %get3A_221 = arith.constant 48 : index
      %get3A_222 = tpu.vector_load %arg9[%get3A_220, %get3A_221] {strides = array<i32>} : memref<512x64xf32, #tpu.memory_space<vmem>>, vector<16xf32>,
      %get3A_223 = arith.index_cast %add3A_194 : i32 to index
      %get3A_224 = arith.constant 48 : index
      %get3A_225 = tpu.vector_load %arg10[%get3A_223, %get3A_224] {strides = array<i32>} : memref<512x64xf32, #tpu.memory_space<vmem>>, vector<16xf32>,
      %mul3A_226 = arith.mulf %get3A_222, %get3A_225 : vector<16xf32>
      %add3A_227 = arith.addf %add3A_219, %mul3A_226 : vector<16xf32>
      %eq3A = arith.constant 0 : i32
      %eq3A_228 = vector.broadcast %eq3A : i32 to vector<16xi32>
      %eq3A_229 = arith.cmpi eq, %iota3A, %eq3A_228 : vector<16xi32>
      %reduce_sum3A = arith.constant true
      %reduce_sum3A_230 = vector.broadcast %reduce_sum3A : i1 to vector<16xi1>
      %reduce_sum3A_231 = tpu.scan <sum>, %add3A_227 masked %reduce_sum3A_230 : vector<16xf32>, vector<16xi1> -> vector<16xf32>
      %reduce_sum3A_232 = vector.extract %reduce_sum3A_231[15] : f32 from vector<16xf32>
      %broadcast_in_dim3A_233 = vector.broadcast %reduce_sum3A_232 : f32 to vector<16xf32>
      %select_n3A = arith.select %eq3A_229, %broadcast_in_dim3A_233, %broadcast_in_dim3A_190 : vector<16xi1>, vector<16xf32>
      %mul3A_234 = arith.constant 16 : i32
      %mul3A_235 = arith.muli %scan3A_189, %mul3A_234 : i32
      %add3A_236 = arith.constant 1 : i32
      %add3A_237 = arith.addi %mul3A_235, %add3A_236 : i32
      %broadcast_in_dim3A_238 = arith.constant 0.000000e+00 : f32
      %broadcast_in_dim3A_239 = vector.broadcast %broadcast_in_dim3A_238 : f32 to vector<16xf32>
      %get3A_240 = arith.index_cast %add3A_237 : i32 to index
      %get3A_241 = arith.constant 0 : index
      %get3A_242 = tpu.vector_load %arg9[%get3A_240, %get3A_241] {strides = array<i32>} : memref<512x64xf32, #tpu.memory_space<vmem>>, vector<16xf32>,
      %get3A_243 = arith.index_cast %add3A_237 : i32 to index
      %get3A_244 = arith.constant 0 : index
      %get3A_245 = tpu.vector_load %arg10[%get3A_243, %get3A_244] {strides = array<i32>} : memref<512x64xf32, #tpu.memory_space<vmem>>, vector<16xf32>,
      %mul3A_246 = arith.mulf %get3A_242, %get3A_245 : vector<16xf32>
      %add3A_247 = arith.addf %broadcast_in_dim3A_239, %mul3A_246 : vector<16xf32>
      %get3A_248 = arith.index_cast %add3A_237 : i32 to index
      %get3A_249 = arith.constant 16 : index
      %get3A_250 = tpu.vector_load %arg9[%get3A_248, %get3A_249] {strides = array<i32>} : memref<512x64xf32, #tpu.memory_space<vmem>>, vector<16xf32>,
      %get3A_251 = arith.index_cast %add3A_237 : i32 to index
      %get3A_252 = arith.constant 16 : index
      %get3A_253 = tpu.vector_load %arg10[%get3A_251, %get3A_252] {strides = array<i32>} : memref<512x64xf32, #tpu.memory_space<vmem>>, vector<16xf32>,
      %mul3A_254 = arith.mulf %get3A_250, %get3A_253 : vector<16xf32>
      %add3A_255 = arith.addf %add3A_247, %mul3A_254 : vector<16xf32>
      %get3A_256 = arith.index_cast %add3A_237 : i32 to index
      %get3A_257 = arith.constant 32 : index
      %get3A_258 = tpu.vector_load %arg9[%get3A_256, %get3A_257] {strides = array<i32>} : memref<512x64xf32, #tpu.memory_space<vmem>>, vector<16xf32>,
      %get3A_259 = arith.index_cast %add3A_237 : i32 to index
      %get3A_260 = arith.constant 32 : index
      %get3A_261 = tpu.vector_load %arg10[%get3A_259, %get3A_260] {strides = array<i32>} : memref<512x64xf32, #tpu.memory_space<vmem>>, vector<16xf32>,
      %mul3A_262 = arith.mulf %get3A_258, %get3A_261 : vector<16xf32>
      %add3A_263 = arith.addf %add3A_255, %mul3A_262 : vector<16xf32>
      %get3A_264 = arith.index_cast %add3A_237 : i32 to index
      %get3A_265 = arith.constant 48 : index
      %get3A_266 = tpu.vector_load %arg9[%get3A_264, %get3A_265] {strides = array<i32>} : memref<512x64xf32, #tpu.memory_space<vmem>>, vector<16xf32>,
      %get3A_267 = arith.index_cast %add3A_237 : i32 to index
      %get3A_268 = arith.constant 48 : index
      %get3A_269 = tpu.vector_load %arg10[%get3A_267, %get3A_268] {strides = array<i32>} : memref<512x64xf32, #tpu.memory_space<vmem>>, vector<16xf32>,
      %mul3A_270 = arith.mulf %get3A_266, %get3A_269 : vector<16xf32>
      %add3A_271 = arith.addf %add3A_263, %mul3A_270 : vector<16xf32>
      %eq3A_272 = arith.constant 1 : i32
      %eq3A_273 = vector.broadcast %eq3A_272 : i32 to vector<16xi32>
      %eq3A_274 = arith.cmpi eq, %iota3A, %eq3A_273 : vector<16xi32>
      %reduce_sum3A_275 = arith.constant true
      %reduce_sum3A_276 = vector.broadcast %reduce_sum3A_275 : i1 to vector<16xi1>
      %reduce_sum3A_277 = tpu.scan <sum>, %add3A_271 masked %reduce_sum3A_276 : vector<16xf32>, vector<16xi1> -> vector<16xf32>
      %reduce_sum3A_278 = vector.extract %reduce_sum3A_277[15] : f32 from vector<16xf32>
      %broadcast_in_dim3A_279 = vector.broadcast %reduce_sum3A_278 : f32 to vector<16xf32>
      %select_n3A_280 = arith.select %eq3A_274, %broadcast_in_dim3A_279, %select_n3A : vector<16xi1>, vector<16xf32>
      %mul3A_281 = arith.constant 16 : i32
      %mul3A_282 = arith.muli %scan3A_189, %mul3A_281 : i32
      %add3A_283 = arith.constant 2 : i32
      %add3A_284 = arith.addi %mul3A_282, %add3A_283 : i32
      %broadcast_in_dim3A_285 = arith.constant 0.000000e+00 : f32
      %broadcast_in_dim3A_286 = vector.broadcast %broadcast_in_dim3A_285 : f32 to vector<16xf32>
      %get3A_287 = arith.index_cast %add3A_284 : i32 to index
      %get3A_288 = arith.constant 0 : index
      %get3A_289 = tpu.vector_load %arg9[%get3A_287, %get3A_288] {strides = array<i32>} : memref<512x64xf32, #tpu.memory_space<vmem>>, vector<16xf32>,
      %get3A_290 = arith.index_cast %add3A_284 : i32 to index
      %get3A_291 = arith.constant 0 : index
      %get3A_292 = tpu.vector_load %arg10[%get3A_290, %get3A_291] {strides = array<i32>} : memref<512x64xf32, #tpu.memory_space<vmem>>, vector<16xf32>,
      %mul3A_293 = arith.mulf %get3A_289, %get3A_292 : vector<16xf32>
      %add3A_294 = arith.addf %broadcast_in_dim3A_286, %mul3A_293 : vector<16xf32>
      %get3A_295 = arith.index_cast %add3A_284 : i32 to index
      %get3A_296 = arith.constant 16 : index
      %get3A_297 = tpu.vector_load %arg9[%get3A_295, %get3A_296] {strides = array<i32>} : memref<512x64xf32, #tpu.memory_space<vmem>>, vector<16xf32>,
      %get3A_298 = arith.index_cast %add3A_284 : i32 to index
      %get3A_299 = arith.constant 16 : index
      %get3A_300 = tpu.vector_load %arg10[%get3A_298, %get3A_299] {strides = array<i32>} : memref<512x64xf32, #tpu.memory_space<vmem>>, vector<16xf32>,
      %mul3A_301 = arith.mulf %get3A_297, %get3A_300 : vector<16xf32>
      %add3A_302 = arith.addf %add3A_294, %mul3A_301 : vector<16xf32>
      %get3A_303 = arith.index_cast %add3A_284 : i32 to index
      %get3A_304 = arith.constant 32 : index
      %get3A_305 = tpu.vector_load %arg9[%get3A_303, %get3A_304] {strides = array<i32>} : memref<512x64xf32, #tpu.memory_space<vmem>>, vector<16xf32>,
      %get3A_306 = arith.index_cast %add3A_284 : i32 to index
      %get3A_307 = arith.constant 32 : index
      %get3A_308 = tpu.vector_load %arg10[%get3A_306, %get3A_307] {strides = array<i32>} : memref<512x64xf32, #tpu.memory_space<vmem>>, vector<16xf32>,
      %mul3A_309 = arith.mulf %get3A_305, %get3A_308 : vector<16xf32>
      %add3A_310 = arith.addf %add3A_302, %mul3A_309 : vector<16xf32>
      %get3A_311 = arith.index_cast %add3A_284 : i32 to index
      %get3A_312 = arith.constant 48 : index
      %get3A_313 = tpu.vector_load %arg9[%get3A_311, %get3A_312] {strides = array<i32>} : memref<512x64xf32, #tpu.memory_space<vmem>>, vector<16xf32>,
      %get3A_314 = arith.index_cast %add3A_284 : i32 to index
      %get3A_315 = arith.constant 48 : index
      %get3A_316 = tpu.vector_load %arg10[%get3A_314, %get3A_315] {strides = array<i32>} : memref<512x64xf32, #tpu.memory_space<vmem>>, vector<16xf32>,
      %mul3A_317 = arith.mulf %get3A_313, %get3A_316 : vector<16xf32>
      %add3A_318 = arith.addf %add3A_310, %mul3A_317 : vector<16xf32>
      %eq3A_319 = arith.constant 2 : i32
      %eq3A_320 = vector.broadcast %eq3A_319 : i32 to vector<16xi32>
      %eq3A_321 = arith.cmpi eq, %iota3A, %eq3A_320 : vector<16xi32>
      %reduce_sum3A_322 = arith.constant true
      %reduce_sum3A_323 = vector.broadcast %reduce_sum3A_322 : i1 to vector<16xi1>
      %reduce_sum3A_324 = tpu.scan <sum>, %add3A_318 masked %reduce_sum3A_323 : vector<16xf32>, vector<16xi1> -> vector<16xf32>
      %reduce_sum3A_325 = vector.extract %reduce_sum3A_324[15] : f32 from vector<16xf32>
      %broadcast_in_dim3A_326 = vector.broadcast %reduce_sum3A_325 : f32 to vector<16xf32>
      %select_n3A_327 = arith.select %eq3A_321, %broadcast_in_dim3A_326, %select_n3A_280 : vector<16xi1>, vector<16xf32>
      %mul3A_328 = arith.constant 16 : i32
      %mul3A_329 = arith.muli %scan3A_189, %mul3A_328 : i32
      %add3A_330 = arith.constant 3 : i32
      %add3A_331 = arith.addi %mul3A_329, %add3A_330 : i32
      %broadcast_in_dim3A_332 = arith.constant 0.000000e+00 : f32
      %broadcast_in_dim3A_333 = vector.broadcast %broadcast_in_dim3A_332 : f32 to vector<16xf32>
      %get3A_334 = arith.index_cast %add3A_331 : i32 to index
      %get3A_335 = arith.constant 0 : index
      %get3A_336 = tpu.vector_load %arg9[%get3A_334, %get3A_335] {strides = array<i32>} : memref<512x64xf32, #tpu.memory_space<vmem>>, vector<16xf32>,
      %get3A_337 = arith.index_cast %add3A_331 : i32 to index
      %get3A_338 = arith.constant 0 : index
      %get3A_339 = tpu.vector_load %arg10[%get3A_337, %get3A_338] {strides = array<i32>} : memref<512x64xf32, #tpu.memory_space<vmem>>, vector<16xf32>,
      %mul3A_340 = arith.mulf %get3A_336, %get3A_339 : vector<16xf32>
      %add3A_341 = arith.addf %broadcast_in_dim3A_333, %mul3A_340 : vector<16xf32>
      %get3A_342 = arith.index_cast %add3A_331 : i32 to index
      %get3A_343 = arith.constant 16 : index
      %get3A_344 = tpu.vector_load %arg9[%get3A_342, %get3A_343] {strides = array<i32>} : memref<512x64xf32, #tpu.memory_space<vmem>>, vector<16xf32>,
      %get3A_345 = arith.index_cast %add3A_331 : i32 to index
      %get3A_346 = arith.constant 16 : index
      %get3A_347 = tpu.vector_load %arg10[%get3A_345, %get3A_346] {strides = array<i32>} : memref<512x64xf32, #tpu.memory_space<vmem>>, vector<16xf32>,
      %mul3A_348 = arith.mulf %get3A_344, %get3A_347 : vector<16xf32>
      %add3A_349 = arith.addf %add3A_341, %mul3A_348 : vector<16xf32>
      %get3A_350 = arith.index_cast %add3A_331 : i32 to index
      %get3A_351 = arith.constant 32 : index
      %get3A_352 = tpu.vector_load %arg9[%get3A_350, %get3A_351] {strides = array<i32>} : memref<512x64xf32, #tpu.memory_space<vmem>>, vector<16xf32>,
      %get3A_353 = arith.index_cast %add3A_331 : i32 to index
      %get3A_354 = arith.constant 32 : index
      %get3A_355 = tpu.vector_load %arg10[%get3A_353, %get3A_354] {strides = array<i32>} : memref<512x64xf32, #tpu.memory_space<vmem>>, vector<16xf32>,
      %mul3A_356 = arith.mulf %get3A_352, %get3A_355 : vector<16xf32>
      %add3A_357 = arith.addf %add3A_349, %mul3A_356 : vector<16xf32>
      %get3A_358 = arith.index_cast %add3A_331 : i32 to index
      %get3A_359 = arith.constant 48 : index
      %get3A_360 = tpu.vector_load %arg9[%get3A_358, %get3A_359] {strides = array<i32>} : memref<512x64xf32, #tpu.memory_space<vmem>>, vector<16xf32>,
      %get3A_361 = arith.index_cast %add3A_331 : i32 to index
      %get3A_362 = arith.constant 48 : index
      %get3A_363 = tpu.vector_load %arg10[%get3A_361, %get3A_362] {strides = array<i32>} : memref<512x64xf32, #tpu.memory_space<vmem>>, vector<16xf32>,
      %mul3A_364 = arith.mulf %get3A_360, %get3A_363 : vector<16xf32>
      %add3A_365 = arith.addf %add3A_357, %mul3A_364 : vector<16xf32>
      %eq3A_366 = arith.constant 3 : i32
      %eq3A_367 = vector.broadcast %eq3A_366 : i32 to vector<16xi32>
      %eq3A_368 = arith.cmpi eq, %iota3A, %eq3A_367 : vector<16xi32>
      %reduce_sum3A_369 = arith.constant true
      %reduce_sum3A_370 = vector.broadcast %reduce_sum3A_369 : i1 to vector<16xi1>
      %reduce_sum3A_371 = tpu.scan <sum>, %add3A_365 masked %reduce_sum3A_370 : vector<16xf32>, vector<16xi1> -> vector<16xf32>
      %reduce_sum3A_372 = vector.extract %reduce_sum3A_371[15] : f32 from vector<16xf32>
      %broadcast_in_dim3A_373 = vector.broadcast %reduce_sum3A_372 : f32 to vector<16xf32>
      %select_n3A_374 = arith.select %eq3A_368, %broadcast_in_dim3A_373, %select_n3A_327 : vector<16xi1>, vector<16xf32>
      %mul3A_375 = arith.constant 16 : i32
      %mul3A_376 = arith.muli %scan3A_189, %mul3A_375 : i32
      %add3A_377 = arith.constant 4 : i32
      %add3A_378 = arith.addi %mul3A_376, %add3A_377 : i32
      %broadcast_in_dim3A_379 = arith.constant 0.000000e+00 : f32
      %broadcast_in_dim3A_380 = vector.broadcast %broadcast_in_dim3A_379 : f32 to vector<16xf32>
      %get3A_381 = arith.index_cast %add3A_378 : i32 to index
      %get3A_382 = arith.constant 0 : index
      %get3A_383 = tpu.vector_load %arg9[%get3A_381, %get3A_382] {strides = array<i32>} : memref<512x64xf32, #tpu.memory_space<vmem>>, vector<16xf32>,
      %get3A_384 = arith.index_cast %add3A_378 : i32 to index
      %get3A_385 = arith.constant 0 : index
      %get3A_386 = tpu.vector_load %arg10[%get3A_384, %get3A_385] {strides = array<i32>} : memref<512x64xf32, #tpu.memory_space<vmem>>, vector<16xf32>,
      %mul3A_387 = arith.mulf %get3A_383, %get3A_386 : vector<16xf32>
      %add3A_388 = arith.addf %broadcast_in_dim3A_380, %mul3A_387 : vector<16xf32>
      %get3A_389 = arith.index_cast %add3A_378 : i32 to index
      %get3A_390 = arith.constant 16 : index
      %get3A_391 = tpu.vector_load %arg9[%get3A_389, %get3A_390] {strides = array<i32>} : memref<512x64xf32, #tpu.memory_space<vmem>>, vector<16xf32>,
      %get3A_392 = arith.index_cast %add3A_378 : i32 to index
      %get3A_393 = arith.constant 16 : index
      %get3A_394 = tpu.vector_load %arg10[%get3A_392, %get3A_393] {strides = array<i32>} : memref<512x64xf32, #tpu.memory_space<vmem>>, vector<16xf32>,
      %mul3A_395 = arith.mulf %get3A_391, %get3A_394 : vector<16xf32>
      %add3A_396 = arith.addf %add3A_388, %mul3A_395 : vector<16xf32>
      %get3A_397 = arith.index_cast %add3A_378 : i32 to index
      %get3A_398 = arith.constant 32 : index
      %get3A_399 = tpu.vector_load %arg9[%get3A_397, %get3A_398] {strides = array<i32>} : memref<512x64xf32, #tpu.memory_space<vmem>>, vector<16xf32>,
      %get3A_400 = arith.index_cast %add3A_378 : i32 to index
      %get3A_401 = arith.constant 32 : index
      %get3A_402 = tpu.vector_load %arg10[%get3A_400, %get3A_401] {strides = array<i32>} : memref<512x64xf32, #tpu.memory_space<vmem>>, vector<16xf32>,
      %mul3A_403 = arith.mulf %get3A_399, %get3A_402 : vector<16xf32>
      %add3A_404 = arith.addf %add3A_396, %mul3A_403 : vector<16xf32>
      %get3A_405 = arith.index_cast %add3A_378 : i32 to index
      %get3A_406 = arith.constant 48 : index
      %get3A_407 = tpu.vector_load %arg9[%get3A_405, %get3A_406] {strides = array<i32>} : memref<512x64xf32, #tpu.memory_space<vmem>>, vector<16xf32>,
      %get3A_408 = arith.index_cast %add3A_378 : i32 to index
      %get3A_409 = arith.constant 48 : index
      %get3A_410 = tpu.vector_load %arg10[%get3A_408, %get3A_409] {strides = array<i32>} : memref<512x64xf32, #tpu.memory_space<vmem>>, vector<16xf32>,
      %mul3A_411 = arith.mulf %get3A_407, %get3A_410 : vector<16xf32>
      %add3A_412 = arith.addf %add3A_404, %mul3A_411 : vector<16xf32>
      %eq3A_413 = arith.constant 4 : i32
      %eq3A_414 = vector.broadcast %eq3A_413 : i32 to vector<16xi32>
      %eq3A_415 = arith.cmpi eq, %iota3A, %eq3A_414 : vector<16xi32>
      %reduce_sum3A_416 = arith.constant true
      %reduce_sum3A_417 = vector.broadcast %reduce_sum3A_416 : i1 to vector<16xi1>
      %reduce_sum3A_418 = tpu.scan <sum>, %add3A_412 masked %reduce_sum3A_417 : vector<16xf32>, vector<16xi1> -> vector<16xf32>
      %reduce_sum3A_419 = vector.extract %reduce_sum3A_418[15] : f32 from vector<16xf32>
      %broadcast_in_dim3A_420 = vector.broadcast %reduce_sum3A_419 : f32 to vector<16xf32>
      %select_n3A_421 = arith.select %eq3A_415, %broadcast_in_dim3A_420, %select_n3A_374 : vector<16xi1>, vector<16xf32>
      %mul3A_422 = arith.constant 16 : i32
      %mul3A_423 = arith.muli %scan3A_189, %mul3A_422 : i32
      %add3A_424 = arith.constant 5 : i32
      %add3A_425 = arith.addi %mul3A_423, %add3A_424 : i32
      %broadcast_in_dim3A_426 = arith.constant 0.000000e+00 : f32
      %broadcast_in_dim3A_427 = vector.broadcast %broadcast_in_dim3A_426 : f32 to vector<16xf32>
      %get3A_428 = arith.index_cast %add3A_425 : i32 to index
      %get3A_429 = arith.constant 0 : index
      %get3A_430 = tpu.vector_load %arg9[%get3A_428, %get3A_429] {strides = array<i32>} : memref<512x64xf32, #tpu.memory_space<vmem>>, vector<16xf32>,
      %get3A_431 = arith.index_cast %add3A_425 : i32 to index
      %get3A_432 = arith.constant 0 : index
      %get3A_433 = tpu.vector_load %arg10[%get3A_431, %get3A_432] {strides = array<i32>} : memref<512x64xf32, #tpu.memory_space<vmem>>, vector<16xf32>,
      %mul3A_434 = arith.mulf %get3A_430, %get3A_433 : vector<16xf32>
      %add3A_435 = arith.addf %broadcast_in_dim3A_427, %mul3A_434 : vector<16xf32>
      %get3A_436 = arith.index_cast %add3A_425 : i32 to index
      %get3A_437 = arith.constant 16 : index
      %get3A_438 = tpu.vector_load %arg9[%get3A_436, %get3A_437] {strides = array<i32>} : memref<512x64xf32, #tpu.memory_space<vmem>>, vector<16xf32>,
      %get3A_439 = arith.index_cast %add3A_425 : i32 to index
      %get3A_440 = arith.constant 16 : index
      %get3A_441 = tpu.vector_load %arg10[%get3A_439, %get3A_440] {strides = array<i32>} : memref<512x64xf32, #tpu.memory_space<vmem>>, vector<16xf32>,
      %mul3A_442 = arith.mulf %get3A_438, %get3A_441 : vector<16xf32>
      %add3A_443 = arith.addf %add3A_435, %mul3A_442 : vector<16xf32>
      %get3A_444 = arith.index_cast %add3A_425 : i32 to index
      %get3A_445 = arith.constant 32 : index
      %get3A_446 = tpu.vector_load %arg9[%get3A_444, %get3A_445] {strides = array<i32>} : memref<512x64xf32, #tpu.memory_space<vmem>>, vector<16xf32>,
      %get3A_447 = arith.index_cast %add3A_425 : i32 to index
      %get3A_448 = arith.constant 32 : index
      %get3A_449 = tpu.vector_load %arg10[%get3A_447, %get3A_448] {strides = array<i32>} : memref<512x64xf32, #tpu.memory_space<vmem>>, vector<16xf32>,
      %mul3A_450 = arith.mulf %get3A_446, %get3A_449 : vector<16xf32>
      %add3A_451 = arith.addf %add3A_443, %mul3A_450 : vector<16xf32>
      %get3A_452 = arith.index_cast %add3A_425 : i32 to index
      %get3A_453 = arith.constant 48 : index
      %get3A_454 = tpu.vector_load %arg9[%get3A_452, %get3A_453] {strides = array<i32>} : memref<512x64xf32, #tpu.memory_space<vmem>>, vector<16xf32>,
      %get3A_455 = arith.index_cast %add3A_425 : i32 to index
      %get3A_456 = arith.constant 48 : index
      %get3A_457 = tpu.vector_load %arg10[%get3A_455, %get3A_456] {strides = array<i32>} : memref<512x64xf32, #tpu.memory_space<vmem>>, vector<16xf32>,
      %mul3A_458 = arith.mulf %get3A_454, %get3A_457 : vector<16xf32>
      %add3A_459 = arith.addf %add3A_451, %mul3A_458 : vector<16xf32>
      %eq3A_460 = arith.constant 5 : i32
      %eq3A_461 = vector.broadcast %eq3A_460 : i32 to vector<16xi32>
      %eq3A_462 = arith.cmpi eq, %iota3A, %eq3A_461 : vector<16xi32>
      %reduce_sum3A_463 = arith.constant true
      %reduce_sum3A_464 = vector.broadcast %reduce_sum3A_463 : i1 to vector<16xi1>
      %reduce_sum3A_465 = tpu.scan <sum>, %add3A_459 masked %reduce_sum3A_464 : vector<16xf32>, vector<16xi1> -> vector<16xf32>
      %reduce_sum3A_466 = vector.extract %reduce_sum3A_465[15] : f32 from vector<16xf32>
      %broadcast_in_dim3A_467 = vector.broadcast %reduce_sum3A_466 : f32 to vector<16xf32>
      %select_n3A_468 = arith.select %eq3A_462, %broadcast_in_dim3A_467, %select_n3A_421 : vector<16xi1>, vector<16xf32>
      %mul3A_469 = arith.constant 16 : i32
      %mul3A_470 = arith.muli %scan3A_189, %mul3A_469 : i32
      %add3A_471 = arith.constant 6 : i32
      %add3A_472 = arith.addi %mul3A_470, %add3A_471 : i32
      %broadcast_in_dim3A_473 = arith.constant 0.000000e+00 : f32
      %broadcast_in_dim3A_474 = vector.broadcast %broadcast_in_dim3A_473 : f32 to vector<16xf32>
      %get3A_475 = arith.index_cast %add3A_472 : i32 to index
      %get3A_476 = arith.constant 0 : index
      %get3A_477 = tpu.vector_load %arg9[%get3A_475, %get3A_476] {strides = array<i32>} : memref<512x64xf32, #tpu.memory_space<vmem>>, vector<16xf32>,
      %get3A_478 = arith.index_cast %add3A_472 : i32 to index
      %get3A_479 = arith.constant 0 : index
      %get3A_480 = tpu.vector_load %arg10[%get3A_478, %get3A_479] {strides = array<i32>} : memref<512x64xf32, #tpu.memory_space<vmem>>, vector<16xf32>,
      %mul3A_481 = arith.mulf %get3A_477, %get3A_480 : vector<16xf32>
      %add3A_482 = arith.addf %broadcast_in_dim3A_474, %mul3A_481 : vector<16xf32>
      %get3A_483 = arith.index_cast %add3A_472 : i32 to index
      %get3A_484 = arith.constant 16 : index
      %get3A_485 = tpu.vector_load %arg9[%get3A_483, %get3A_484] {strides = array<i32>} : memref<512x64xf32, #tpu.memory_space<vmem>>, vector<16xf32>,
      %get3A_486 = arith.index_cast %add3A_472 : i32 to index
      %get3A_487 = arith.constant 16 : index
      %get3A_488 = tpu.vector_load %arg10[%get3A_486, %get3A_487] {strides = array<i32>} : memref<512x64xf32, #tpu.memory_space<vmem>>, vector<16xf32>,
      %mul3A_489 = arith.mulf %get3A_485, %get3A_488 : vector<16xf32>
      %add3A_490 = arith.addf %add3A_482, %mul3A_489 : vector<16xf32>
      %get3A_491 = arith.index_cast %add3A_472 : i32 to index
      %get3A_492 = arith.constant 32 : index
      %get3A_493 = tpu.vector_load %arg9[%get3A_491, %get3A_492] {strides = array<i32>} : memref<512x64xf32, #tpu.memory_space<vmem>>, vector<16xf32>,
      %get3A_494 = arith.index_cast %add3A_472 : i32 to index
      %get3A_495 = arith.constant 32 : index
      %get3A_496 = tpu.vector_load %arg10[%get3A_494, %get3A_495] {strides = array<i32>} : memref<512x64xf32, #tpu.memory_space<vmem>>, vector<16xf32>,
      %mul3A_497 = arith.mulf %get3A_493, %get3A_496 : vector<16xf32>
      %add3A_498 = arith.addf %add3A_490, %mul3A_497 : vector<16xf32>
      %get3A_499 = arith.index_cast %add3A_472 : i32 to index
      %get3A_500 = arith.constant 48 : index
      %get3A_501 = tpu.vector_load %arg9[%get3A_499, %get3A_500] {strides = array<i32>} : memref<512x64xf32, #tpu.memory_space<vmem>>, vector<16xf32>,
      %get3A_502 = arith.index_cast %add3A_472 : i32 to index
      %get3A_503 = arith.constant 48 : index
      %get3A_504 = tpu.vector_load %arg10[%get3A_502, %get3A_503] {strides = array<i32>} : memref<512x64xf32, #tpu.memory_space<vmem>>, vector<16xf32>,
      %mul3A_505 = arith.mulf %get3A_501, %get3A_504 : vector<16xf32>
      %add3A_506 = arith.addf %add3A_498, %mul3A_505 : vector<16xf32>
      %eq3A_507 = arith.constant 6 : i32
      %eq3A_508 = vector.broadcast %eq3A_507 : i32 to vector<16xi32>
      %eq3A_509 = arith.cmpi eq, %iota3A, %eq3A_508 : vector<16xi32>
      %reduce_sum3A_510 = arith.constant true
      %reduce_sum3A_511 = vector.broadcast %reduce_sum3A_510 : i1 to vector<16xi1>
      %reduce_sum3A_512 = tpu.scan <sum>, %add3A_506 masked %reduce_sum3A_511 : vector<16xf32>, vector<16xi1> -> vector<16xf32>
      %reduce_sum3A_513 = vector.extract %reduce_sum3A_512[15] : f32 from vector<16xf32>
      %broadcast_in_dim3A_514 = vector.broadcast %reduce_sum3A_513 : f32 to vector<16xf32>
      %select_n3A_515 = arith.select %eq3A_509, %broadcast_in_dim3A_514, %select_n3A_468 : vector<16xi1>, vector<16xf32>
      %mul3A_516 = arith.constant 16 : i32
      %mul3A_517 = arith.muli %scan3A_189, %mul3A_516 : i32
      %add3A_518 = arith.constant 7 : i32
      %add3A_519 = arith.addi %mul3A_517, %add3A_518 : i32
      %broadcast_in_dim3A_520 = arith.constant 0.000000e+00 : f32
      %broadcast_in_dim3A_521 = vector.broadcast %broadcast_in_dim3A_520 : f32 to vector<16xf32>
      %get3A_522 = arith.index_cast %add3A_519 : i32 to index
      %get3A_523 = arith.constant 0 : index
      %get3A_524 = tpu.vector_load %arg9[%get3A_522, %get3A_523] {strides = array<i32>} : memref<512x64xf32, #tpu.memory_space<vmem>>, vector<16xf32>,
      %get3A_525 = arith.index_cast %add3A_519 : i32 to index
      %get3A_526 = arith.constant 0 : index
      %get3A_527 = tpu.vector_load %arg10[%get3A_525, %get3A_526] {strides = array<i32>} : memref<512x64xf32, #tpu.memory_space<vmem>>, vector<16xf32>,
      %mul3A_528 = arith.mulf %get3A_524, %get3A_527 : vector<16xf32>
      %add3A_529 = arith.addf %broadcast_in_dim3A_521, %mul3A_528 : vector<16xf32>
      %get3A_530 = arith.index_cast %add3A_519 : i32 to index
      %get3A_531 = arith.constant 16 : index
      %get3A_532 = tpu.vector_load %arg9[%get3A_530, %get3A_531] {strides = array<i32>} : memref<512x64xf32, #tpu.memory_space<vmem>>, vector<16xf32>,
      %get3A_533 = arith.index_cast %add3A_519 : i32 to index
      %get3A_534 = arith.constant 16 : index
      %get3A_535 = tpu.vector_load %arg10[%get3A_533, %get3A_534] {strides = array<i32>} : memref<512x64xf32, #tpu.memory_space<vmem>>, vector<16xf32>,
      %mul3A_536 = arith.mulf %get3A_532, %get3A_535 : vector<16xf32>
      %add3A_537 = arith.addf %add3A_529, %mul3A_536 : vector<16xf32>
      %get3A_538 = arith.index_cast %add3A_519 : i32 to index
      %get3A_539 = arith.constant 32 : index
      %get3A_540 = tpu.vector_load %arg9[%get3A_538, %get3A_539] {strides = array<i32>} : memref<512x64xf32, #tpu.memory_space<vmem>>, vector<16xf32>,
      %get3A_541 = arith.index_cast %add3A_519 : i32 to index
      %get3A_542 = arith.constant 32 : index
      %get3A_543 = tpu.vector_load %arg10[%get3A_541, %get3A_542] {strides = array<i32>} : memref<512x64xf32, #tpu.memory_space<vmem>>, vector<16xf32>,
      %mul3A_544 = arith.mulf %get3A_540, %get3A_543 : vector<16xf32>
      %add3A_545 = arith.addf %add3A_537, %mul3A_544 : vector<16xf32>
      %get3A_546 = arith.index_cast %add3A_519 : i32 to index
      %get3A_547 = arith.constant 48 : index
      %get3A_548 = tpu.vector_load %arg9[%get3A_546, %get3A_547] {strides = array<i32>} : memref<512x64xf32, #tpu.memory_space<vmem>>, vector<16xf32>,
      %get3A_549 = arith.index_cast %add3A_519 : i32 to index
      %get3A_550 = arith.constant 48 : index
      %get3A_551 = tpu.vector_load %arg10[%get3A_549, %get3A_550] {strides = array<i32>} : memref<512x64xf32, #tpu.memory_space<vmem>>, vector<16xf32>,
      %mul3A_552 = arith.mulf %get3A_548, %get3A_551 : vector<16xf32>
      %add3A_553 = arith.addf %add3A_545, %mul3A_552 : vector<16xf32>
      %eq3A_554 = arith.constant 7 : i32
      %eq3A_555 = vector.broadcast %eq3A_554 : i32 to vector<16xi32>
      %eq3A_556 = arith.cmpi eq, %iota3A, %eq3A_555 : vector<16xi32>
      %reduce_sum3A_557 = arith.constant true
      %reduce_sum3A_558 = vector.broadcast %reduce_sum3A_557 : i1 to vector<16xi1>
      %reduce_sum3A_559 = tpu.scan <sum>, %add3A_553 masked %reduce_sum3A_558 : vector<16xf32>, vector<16xi1> -> vector<16xf32>
      %reduce_sum3A_560 = vector.extract %reduce_sum3A_559[15] : f32 from vector<16xf32>
      %broadcast_in_dim3A_561 = vector.broadcast %reduce_sum3A_560 : f32 to vector<16xf32>
      %select_n3A_562 = arith.select %eq3A_556, %broadcast_in_dim3A_561, %select_n3A_515 : vector<16xi1>, vector<16xf32>
      %mul3A_563 = arith.constant 16 : i32
      %mul3A_564 = arith.muli %scan3A_189, %mul3A_563 : i32
      %add3A_565 = arith.constant 8 : i32
      %add3A_566 = arith.addi %mul3A_564, %add3A_565 : i32
      %broadcast_in_dim3A_567 = arith.constant 0.000000e+00 : f32
      %broadcast_in_dim3A_568 = vector.broadcast %broadcast_in_dim3A_567 : f32 to vector<16xf32>
      %get3A_569 = arith.index_cast %add3A_566 : i32 to index
      %get3A_570 = arith.constant 0 : index
      %get3A_571 = tpu.vector_load %arg9[%get3A_569, %get3A_570] {strides = array<i32>} : memref<512x64xf32, #tpu.memory_space<vmem>>, vector<16xf32>,
      %get3A_572 = arith.index_cast %add3A_566 : i32 to index
      %get3A_573 = arith.constant 0 : index
      %get3A_574 = tpu.vector_load %arg10[%get3A_572, %get3A_573] {strides = array<i32>} : memref<512x64xf32, #tpu.memory_space<vmem>>, vector<16xf32>,
      %mul3A_575 = arith.mulf %get3A_571, %get3A_574 : vector<16xf32>
      %add3A_576 = arith.addf %broadcast_in_dim3A_568, %mul3A_575 : vector<16xf32>
      %get3A_577 = arith.index_cast %add3A_566 : i32 to index
      %get3A_578 = arith.constant 16 : index
      %get3A_579 = tpu.vector_load %arg9[%get3A_577, %get3A_578] {strides = array<i32>} : memref<512x64xf32, #tpu.memory_space<vmem>>, vector<16xf32>,
      %get3A_580 = arith.index_cast %add3A_566 : i32 to index
      %get3A_581 = arith.constant 16 : index
      %get3A_582 = tpu.vector_load %arg10[%get3A_580, %get3A_581] {strides = array<i32>} : memref<512x64xf32, #tpu.memory_space<vmem>>, vector<16xf32>,
      %mul3A_583 = arith.mulf %get3A_579, %get3A_582 : vector<16xf32>
      %add3A_584 = arith.addf %add3A_576, %mul3A_583 : vector<16xf32>
      %get3A_585 = arith.index_cast %add3A_566 : i32 to index
      %get3A_586 = arith.constant 32 : index
      %get3A_587 = tpu.vector_load %arg9[%get3A_585, %get3A_586] {strides = array<i32>} : memref<512x64xf32, #tpu.memory_space<vmem>>, vector<16xf32>,
      %get3A_588 = arith.index_cast %add3A_566 : i32 to index
      %get3A_589 = arith.constant 32 : index
      %get3A_590 = tpu.vector_load %arg10[%get3A_588, %get3A_589] {strides = array<i32>} : memref<512x64xf32, #tpu.memory_space<vmem>>, vector<16xf32>,
      %mul3A_591 = arith.mulf %get3A_587, %get3A_590 : vector<16xf32>
      %add3A_592 = arith.addf %add3A_584, %mul3A_591 : vector<16xf32>
      %get3A_593 = arith.index_cast %add3A_566 : i32 to index
      %get3A_594 = arith.constant 48 : index
      %get3A_595 = tpu.vector_load %arg9[%get3A_593, %get3A_594] {strides = array<i32>} : memref<512x64xf32, #tpu.memory_space<vmem>>, vector<16xf32>,
      %get3A_596 = arith.index_cast %add3A_566 : i32 to index
      %get3A_597 = arith.constant 48 : index
      %get3A_598 = tpu.vector_load %arg10[%get3A_596, %get3A_597] {strides = array<i32>} : memref<512x64xf32, #tpu.memory_space<vmem>>, vector<16xf32>,
      %mul3A_599 = arith.mulf %get3A_595, %get3A_598 : vector<16xf32>
      %add3A_600 = arith.addf %add3A_592, %mul3A_599 : vector<16xf32>
      %eq3A_601 = arith.constant 8 : i32
      %eq3A_602 = vector.broadcast %eq3A_601 : i32 to vector<16xi32>
      %eq3A_603 = arith.cmpi eq, %iota3A, %eq3A_602 : vector<16xi32>
      %reduce_sum3A_604 = arith.constant true
      %reduce_sum3A_605 = vector.broadcast %reduce_sum3A_604 : i1 to vector<16xi1>
      %reduce_sum3A_606 = tpu.scan <sum>, %add3A_600 masked %reduce_sum3A_605 : vector<16xf32>, vector<16xi1> -> vector<16xf32>
      %reduce_sum3A_607 = vector.extract %reduce_sum3A_606[15] : f32 from vector<16xf32>
      %broadcast_in_dim3A_608 = vector.broadcast %reduce_sum3A_607 : f32 to vector<16xf32>
      %select_n3A_609 = arith.select %eq3A_603, %broadcast_in_dim3A_608, %select_n3A_562 : vector<16xi1>, vector<16xf32>
      %mul3A_610 = arith.constant 16 : i32
      %mul3A_611 = arith.muli %scan3A_189, %mul3A_610 : i32
      %add3A_612 = arith.constant 9 : i32
      %add3A_613 = arith.addi %mul3A_611, %add3A_612 : i32
      %broadcast_in_dim3A_614 = arith.constant 0.000000e+00 : f32
      %broadcast_in_dim3A_615 = vector.broadcast %broadcast_in_dim3A_614 : f32 to vector<16xf32>
      %get3A_616 = arith.index_cast %add3A_613 : i32 to index
      %get3A_617 = arith.constant 0 : index
      %get3A_618 = tpu.vector_load %arg9[%get3A_616, %get3A_617] {strides = array<i32>} : memref<512x64xf32, #tpu.memory_space<vmem>>, vector<16xf32>,
      %get3A_619 = arith.index_cast %add3A_613 : i32 to index
      %get3A_620 = arith.constant 0 : index
      %get3A_621 = tpu.vector_load %arg10[%get3A_619, %get3A_620] {strides = array<i32>} : memref<512x64xf32, #tpu.memory_space<vmem>>, vector<16xf32>,
      %mul3A_622 = arith.mulf %get3A_618, %get3A_621 : vector<16xf32>
      %add3A_623 = arith.addf %broadcast_in_dim3A_615, %mul3A_622 : vector<16xf32>
      %get3A_624 = arith.index_cast %add3A_613 : i32 to index
      %get3A_625 = arith.constant 16 : index
      %get3A_626 = tpu.vector_load %arg9[%get3A_624, %get3A_625] {strides = array<i32>} : memref<512x64xf32, #tpu.memory_space<vmem>>, vector<16xf32>,
      %get3A_627 = arith.index_cast %add3A_613 : i32 to index
      %get3A_628 = arith.constant 16 : index
      %get3A_629 = tpu.vector_load %arg10[%get3A_627, %get3A_628] {strides = array<i32>} : memref<512x64xf32, #tpu.memory_space<vmem>>, vector<16xf32>,
      %mul3A_630 = arith.mulf %get3A_626, %get3A_629 : vector<16xf32>
      %add3A_631 = arith.addf %add3A_623, %mul3A_630 : vector<16xf32>
      %get3A_632 = arith.index_cast %add3A_613 : i32 to index
      %get3A_633 = arith.constant 32 : index
      %get3A_634 = tpu.vector_load %arg9[%get3A_632, %get3A_633] {strides = array<i32>} : memref<512x64xf32, #tpu.memory_space<vmem>>, vector<16xf32>,
      %get3A_635 = arith.index_cast %add3A_613 : i32 to index
      %get3A_636 = arith.constant 32 : index
      %get3A_637 = tpu.vector_load %arg10[%get3A_635, %get3A_636] {strides = array<i32>} : memref<512x64xf32, #tpu.memory_space<vmem>>, vector<16xf32>,
      %mul3A_638 = arith.mulf %get3A_634, %get3A_637 : vector<16xf32>
      %add3A_639 = arith.addf %add3A_631, %mul3A_638 : vector<16xf32>
      %get3A_640 = arith.index_cast %add3A_613 : i32 to index
      %get3A_641 = arith.constant 48 : index
      %get3A_642 = tpu.vector_load %arg9[%get3A_640, %get3A_641] {strides = array<i32>} : memref<512x64xf32, #tpu.memory_space<vmem>>, vector<16xf32>,
      %get3A_643 = arith.index_cast %add3A_613 : i32 to index
      %get3A_644 = arith.constant 48 : index
      %get3A_645 = tpu.vector_load %arg10[%get3A_643, %get3A_644] {strides = array<i32>} : memref<512x64xf32, #tpu.memory_space<vmem>>, vector<16xf32>,
      %mul3A_646 = arith.mulf %get3A_642, %get3A_645 : vector<16xf32>
      %add3A_647 = arith.addf %add3A_639, %mul3A_646 : vector<16xf32>
      %eq3A_648 = arith.constant 9 : i32
      %eq3A_649 = vector.broadcast %eq3A_648 : i32 to vector<16xi32>
      %eq3A_650 = arith.cmpi eq, %iota3A, %eq3A_649 : vector<16xi32>
      %reduce_sum3A_651 = arith.constant true
      %reduce_sum3A_652 = vector.broadcast %reduce_sum3A_651 : i1 to vector<16xi1>
      %reduce_sum3A_653 = tpu.scan <sum>, %add3A_647 masked %reduce_sum3A_652 : vector<16xf32>, vector<16xi1> -> vector<16xf32>
      %reduce_sum3A_654 = vector.extract %reduce_sum3A_653[15] : f32 from vector<16xf32>
      %broadcast_in_dim3A_655 = vector.broadcast %reduce_sum3A_654 : f32 to vector<16xf32>
      %select_n3A_656 = arith.select %eq3A_650, %broadcast_in_dim3A_655, %select_n3A_609 : vector<16xi1>, vector<16xf32>
      %mul3A_657 = arith.constant 16 : i32
      %mul3A_658 = arith.muli %scan3A_189, %mul3A_657 : i32
      %add3A_659 = arith.constant 10 : i32
      %add3A_660 = arith.addi %mul3A_658, %add3A_659 : i32
      %broadcast_in_dim3A_661 = arith.constant 0.000000e+00 : f32
      %broadcast_in_dim3A_662 = vector.broadcast %broadcast_in_dim3A_661 : f32 to vector<16xf32>
      %get3A_663 = arith.index_cast %add3A_660 : i32 to index
      %get3A_664 = arith.constant 0 : index
      %get3A_665 = tpu.vector_load %arg9[%get3A_663, %get3A_664] {strides = array<i32>} : memref<512x64xf32, #tpu.memory_space<vmem>>, vector<16xf32>,
      %get3A_666 = arith.index_cast %add3A_660 : i32 to index
      %get3A_667 = arith.constant 0 : index
      %get3A_668 = tpu.vector_load %arg10[%get3A_666, %get3A_667] {strides = array<i32>} : memref<512x64xf32, #tpu.memory_space<vmem>>, vector<16xf32>,
      %mul3A_669 = arith.mulf %get3A_665, %get3A_668 : vector<16xf32>
      %add3A_670 = arith.addf %broadcast_in_dim3A_662, %mul3A_669 : vector<16xf32>
      %get3A_671 = arith.index_cast %add3A_660 : i32 to index
      %get3A_672 = arith.constant 16 : index
      %get3A_673 = tpu.vector_load %arg9[%get3A_671, %get3A_672] {strides = array<i32>} : memref<512x64xf32, #tpu.memory_space<vmem>>, vector<16xf32>,
      %get3A_674 = arith.index_cast %add3A_660 : i32 to index
      %get3A_675 = arith.constant 16 : index
      %get3A_676 = tpu.vector_load %arg10[%get3A_674, %get3A_675] {strides = array<i32>} : memref<512x64xf32, #tpu.memory_space<vmem>>, vector<16xf32>,
      %mul3A_677 = arith.mulf %get3A_673, %get3A_676 : vector<16xf32>
      %add3A_678 = arith.addf %add3A_670, %mul3A_677 : vector<16xf32>
      %get3A_679 = arith.index_cast %add3A_660 : i32 to index
      %get3A_680 = arith.constant 32 : index
      %get3A_681 = tpu.vector_load %arg9[%get3A_679, %get3A_680] {strides = array<i32>} : memref<512x64xf32, #tpu.memory_space<vmem>>, vector<16xf32>,
      %get3A_682 = arith.index_cast %add3A_660 : i32 to index
      %get3A_683 = arith.constant 32 : index
      %get3A_684 = tpu.vector_load %arg10[%get3A_682, %get3A_683] {strides = array<i32>} : memref<512x64xf32, #tpu.memory_space<vmem>>, vector<16xf32>,
      %mul3A_685 = arith.mulf %get3A_681, %get3A_684 : vector<16xf32>
      %add3A_686 = arith.addf %add3A_678, %mul3A_685 : vector<16xf32>
      %get3A_687 = arith.index_cast %add3A_660 : i32 to index
      %get3A_688 = arith.constant 48 : index
      %get3A_689 = tpu.vector_load %arg9[%get3A_687, %get3A_688] {strides = array<i32>} : memref<512x64xf32, #tpu.memory_space<vmem>>, vector<16xf32>,
      %get3A_690 = arith.index_cast %add3A_660 : i32 to index
      %get3A_691 = arith.constant 48 : index
      %get3A_692 = tpu.vector_load %arg10[%get3A_690, %get3A_691] {strides = array<i32>} : memref<512x64xf32, #tpu.memory_space<vmem>>, vector<16xf32>,
      %mul3A_693 = arith.mulf %get3A_689, %get3A_692 : vector<16xf32>
      %add3A_694 = arith.addf %add3A_686, %mul3A_693 : vector<16xf32>
      %eq3A_695 = arith.constant 10 : i32
      %eq3A_696 = vector.broadcast %eq3A_695 : i32 to vector<16xi32>
      %eq3A_697 = arith.cmpi eq, %iota3A, %eq3A_696 : vector<16xi32>
      %reduce_sum3A_698 = arith.constant true
      %reduce_sum3A_699 = vector.broadcast %reduce_sum3A_698 : i1 to vector<16xi1>
      %reduce_sum3A_700 = tpu.scan <sum>, %add3A_694 masked %reduce_sum3A_699 : vector<16xf32>, vector<16xi1> -> vector<16xf32>
      %reduce_sum3A_701 = vector.extract %reduce_sum3A_700[15] : f32 from vector<16xf32>
      %broadcast_in_dim3A_702 = vector.broadcast %reduce_sum3A_701 : f32 to vector<16xf32>
      %select_n3A_703 = arith.select %eq3A_697, %broadcast_in_dim3A_702, %select_n3A_656 : vector<16xi1>, vector<16xf32>
      %mul3A_704 = arith.constant 16 : i32
      %mul3A_705 = arith.muli %scan3A_189, %mul3A_704 : i32
      %add3A_706 = arith.constant 11 : i32
      %add3A_707 = arith.addi %mul3A_705, %add3A_706 : i32
      %broadcast_in_dim3A_708 = arith.constant 0.000000e+00 : f32
      %broadcast_in_dim3A_709 = vector.broadcast %broadcast_in_dim3A_708 : f32 to vector<16xf32>
      %get3A_710 = arith.index_cast %add3A_707 : i32 to index
      %get3A_711 = arith.constant 0 : index
      %get3A_712 = tpu.vector_load %arg9[%get3A_710, %get3A_711] {strides = array<i32>} : memref<512x64xf32, #tpu.memory_space<vmem>>, vector<16xf32>,
      %get3A_713 = arith.index_cast %add3A_707 : i32 to index
      %get3A_714 = arith.constant 0 : index
      %get3A_715 = tpu.vector_load %arg10[%get3A_713, %get3A_714] {strides = array<i32>} : memref<512x64xf32, #tpu.memory_space<vmem>>, vector<16xf32>,
      %mul3A_716 = arith.mulf %get3A_712, %get3A_715 : vector<16xf32>
      %add3A_717 = arith.addf %broadcast_in_dim3A_709, %mul3A_716 : vector<16xf32>
      %get3A_718 = arith.index_cast %add3A_707 : i32 to index
      %get3A_719 = arith.constant 16 : index
      %get3A_720 = tpu.vector_load %arg9[%get3A_718, %get3A_719] {strides = array<i32>} : memref<512x64xf32, #tpu.memory_space<vmem>>, vector<16xf32>,
      %get3A_721 = arith.index_cast %add3A_707 : i32 to index
      %get3A_722 = arith.constant 16 : index
      %get3A_723 = tpu.vector_load %arg10[%get3A_721, %get3A_722] {strides = array<i32>} : memref<512x64xf32, #tpu.memory_space<vmem>>, vector<16xf32>,
      %mul3A_724 = arith.mulf %get3A_720, %get3A_723 : vector<16xf32>
      %add3A_725 = arith.addf %add3A_717, %mul3A_724 : vector<16xf32>
      %get3A_726 = arith.index_cast %add3A_707 : i32 to index
      %get3A_727 = arith.constant 32 : index
      %get3A_728 = tpu.vector_load %arg9[%get3A_726, %get3A_727] {strides = array<i32>} : memref<512x64xf32, #tpu.memory_space<vmem>>, vector<16xf32>,
      %get3A_729 = arith.index_cast %add3A_707 : i32 to index
      %get3A_730 = arith.constant 32 : index
      %get3A_731 = tpu.vector_load %arg10[%get3A_729, %get3A_730] {strides = array<i32>} : memref<512x64xf32, #tpu.memory_space<vmem>>, vector<16xf32>,
      %mul3A_732 = arith.mulf %get3A_728, %get3A_731 : vector<16xf32>
      %add3A_733 = arith.addf %add3A_725, %mul3A_732 : vector<16xf32>
      %get3A_734 = arith.index_cast %add3A_707 : i32 to index
      %get3A_735 = arith.constant 48 : index
      %get3A_736 = tpu.vector_load %arg9[%get3A_734, %get3A_735] {strides = array<i32>} : memref<512x64xf32, #tpu.memory_space<vmem>>, vector<16xf32>,
      %get3A_737 = arith.index_cast %add3A_707 : i32 to index
      %get3A_738 = arith.constant 48 : index
      %get3A_739 = tpu.vector_load %arg10[%get3A_737, %get3A_738] {strides = array<i32>} : memref<512x64xf32, #tpu.memory_space<vmem>>, vector<16xf32>,
      %mul3A_740 = arith.mulf %get3A_736, %get3A_739 : vector<16xf32>
      %add3A_741 = arith.addf %add3A_733, %mul3A_740 : vector<16xf32>
      %eq3A_742 = arith.constant 11 : i32
      %eq3A_743 = vector.broadcast %eq3A_742 : i32 to vector<16xi32>
      %eq3A_744 = arith.cmpi eq, %iota3A, %eq3A_743 : vector<16xi32>
      %reduce_sum3A_745 = arith.constant true
      %reduce_sum3A_746 = vector.broadcast %reduce_sum3A_745 : i1 to vector<16xi1>
      %reduce_sum3A_747 = tpu.scan <sum>, %add3A_741 masked %reduce_sum3A_746 : vector<16xf32>, vector<16xi1> -> vector<16xf32>
      %reduce_sum3A_748 = vector.extract %reduce_sum3A_747[15] : f32 from vector<16xf32>
      %broadcast_in_dim3A_749 = vector.broadcast %reduce_sum3A_748 : f32 to vector<16xf32>
      %select_n3A_750 = arith.select %eq3A_744, %broadcast_in_dim3A_749, %select_n3A_703 : vector<16xi1>, vector<16xf32>
      %mul3A_751 = arith.constant 16 : i32
      %mul3A_752 = arith.muli %scan3A_189, %mul3A_751 : i32
      %add3A_753 = arith.constant 12 : i32
      %add3A_754 = arith.addi %mul3A_752, %add3A_753 : i32
      %broadcast_in_dim3A_755 = arith.constant 0.000000e+00 : f32
      %broadcast_in_dim3A_756 = vector.broadcast %broadcast_in_dim3A_755 : f32 to vector<16xf32>
      %get3A_757 = arith.index_cast %add3A_754 : i32 to index
      %get3A_758 = arith.constant 0 : index
      %get3A_759 = tpu.vector_load %arg9[%get3A_757, %get3A_758] {strides = array<i32>} : memref<512x64xf32, #tpu.memory_space<vmem>>, vector<16xf32>,
      %get3A_760 = arith.index_cast %add3A_754 : i32 to index
      %get3A_761 = arith.constant 0 : index
      %get3A_762 = tpu.vector_load %arg10[%get3A_760, %get3A_761] {strides = array<i32>} : memref<512x64xf32, #tpu.memory_space<vmem>>, vector<16xf32>,
      %mul3A_763 = arith.mulf %get3A_759, %get3A_762 : vector<16xf32>
      %add3A_764 = arith.addf %broadcast_in_dim3A_756, %mul3A_763 : vector<16xf32>
      %get3A_765 = arith.index_cast %add3A_754 : i32 to index
      %get3A_766 = arith.constant 16 : index
      %get3A_767 = tpu.vector_load %arg9[%get3A_765, %get3A_766] {strides = array<i32>} : memref<512x64xf32, #tpu.memory_space<vmem>>, vector<16xf32>,
      %get3A_768 = arith.index_cast %add3A_754 : i32 to index
      %get3A_769 = arith.constant 16 : index
      %get3A_770 = tpu.vector_load %arg10[%get3A_768, %get3A_769] {strides = array<i32>} : memref<512x64xf32, #tpu.memory_space<vmem>>, vector<16xf32>,
      %mul3A_771 = arith.mulf %get3A_767, %get3A_770 : vector<16xf32>
      %add3A_772 = arith.addf %add3A_764, %mul3A_771 : vector<16xf32>
      %get3A_773 = arith.index_cast %add3A_754 : i32 to index
      %get3A_774 = arith.constant 32 : index
      %get3A_775 = tpu.vector_load %arg9[%get3A_773, %get3A_774] {strides = array<i32>} : memref<512x64xf32, #tpu.memory_space<vmem>>, vector<16xf32>,
      %get3A_776 = arith.index_cast %add3A_754 : i32 to index
      %get3A_777 = arith.constant 32 : index
      %get3A_778 = tpu.vector_load %arg10[%get3A_776, %get3A_777] {strides = array<i32>} : memref<512x64xf32, #tpu.memory_space<vmem>>, vector<16xf32>,
      %mul3A_779 = arith.mulf %get3A_775, %get3A_778 : vector<16xf32>
      %add3A_780 = arith.addf %add3A_772, %mul3A_779 : vector<16xf32>
      %get3A_781 = arith.index_cast %add3A_754 : i32 to index
      %get3A_782 = arith.constant 48 : index
      %get3A_783 = tpu.vector_load %arg9[%get3A_781, %get3A_782] {strides = array<i32>} : memref<512x64xf32, #tpu.memory_space<vmem>>, vector<16xf32>,
      %get3A_784 = arith.index_cast %add3A_754 : i32 to index
      %get3A_785 = arith.constant 48 : index
      %get3A_786 = tpu.vector_load %arg10[%get3A_784, %get3A_785] {strides = array<i32>} : memref<512x64xf32, #tpu.memory_space<vmem>>, vector<16xf32>,
      %mul3A_787 = arith.mulf %get3A_783, %get3A_786 : vector<16xf32>
      %add3A_788 = arith.addf %add3A_780, %mul3A_787 : vector<16xf32>
      %eq3A_789 = arith.constant 12 : i32
      %eq3A_790 = vector.broadcast %eq3A_789 : i32 to vector<16xi32>
      %eq3A_791 = arith.cmpi eq, %iota3A, %eq3A_790 : vector<16xi32>
      %reduce_sum3A_792 = arith.constant true
      %reduce_sum3A_793 = vector.broadcast %reduce_sum3A_792 : i1 to vector<16xi1>
      %reduce_sum3A_794 = tpu.scan <sum>, %add3A_788 masked %reduce_sum3A_793 : vector<16xf32>, vector<16xi1> -> vector<16xf32>
      %reduce_sum3A_795 = vector.extract %reduce_sum3A_794[15] : f32 from vector<16xf32>
      %broadcast_in_dim3A_796 = vector.broadcast %reduce_sum3A_795 : f32 to vector<16xf32>
      %select_n3A_797 = arith.select %eq3A_791, %broadcast_in_dim3A_796, %select_n3A_750 : vector<16xi1>, vector<16xf32>
      %mul3A_798 = arith.constant 16 : i32
      %mul3A_799 = arith.muli %scan3A_189, %mul3A_798 : i32
      %add3A_800 = arith.constant 13 : i32
      %add3A_801 = arith.addi %mul3A_799, %add3A_800 : i32
      %broadcast_in_dim3A_802 = arith.constant 0.000000e+00 : f32
      %broadcast_in_dim3A_803 = vector.broadcast %broadcast_in_dim3A_802 : f32 to vector<16xf32>
      %get3A_804 = arith.index_cast %add3A_801 : i32 to index
      %get3A_805 = arith.constant 0 : index
      %get3A_806 = tpu.vector_load %arg9[%get3A_804, %get3A_805] {strides = array<i32>} : memref<512x64xf32, #tpu.memory_space<vmem>>, vector<16xf32>,
      %get3A_807 = arith.index_cast %add3A_801 : i32 to index
      %get3A_808 = arith.constant 0 : index
      %get3A_809 = tpu.vector_load %arg10[%get3A_807, %get3A_808] {strides = array<i32>} : memref<512x64xf32, #tpu.memory_space<vmem>>, vector<16xf32>,
      %mul3A_810 = arith.mulf %get3A_806, %get3A_809 : vector<16xf32>
      %add3A_811 = arith.addf %broadcast_in_dim3A_803, %mul3A_810 : vector<16xf32>
      %get3A_812 = arith.index_cast %add3A_801 : i32 to index
      %get3A_813 = arith.constant 16 : index
      %get3A_814 = tpu.vector_load %arg9[%get3A_812, %get3A_813] {strides = array<i32>} : memref<512x64xf32, #tpu.memory_space<vmem>>, vector<16xf32>,
      %get3A_815 = arith.index_cast %add3A_801 : i32 to index
      %get3A_816 = arith.constant 16 : index
      %get3A_817 = tpu.vector_load %arg10[%get3A_815, %get3A_816] {strides = array<i32>} : memref<512x64xf32, #tpu.memory_space<vmem>>, vector<16xf32>,
      %mul3A_818 = arith.mulf %get3A_814, %get3A_817 : vector<16xf32>
      %add3A_819 = arith.addf %add3A_811, %mul3A_818 : vector<16xf32>
      %get3A_820 = arith.index_cast %add3A_801 : i32 to index
      %get3A_821 = arith.constant 32 : index
      %get3A_822 = tpu.vector_load %arg9[%get3A_820, %get3A_821] {strides = array<i32>} : memref<512x64xf32, #tpu.memory_space<vmem>>, vector<16xf32>,
      %get3A_823 = arith.index_cast %add3A_801 : i32 to index
      %get3A_824 = arith.constant 32 : index
      %get3A_825 = tpu.vector_load %arg10[%get3A_823, %get3A_824] {strides = array<i32>} : memref<512x64xf32, #tpu.memory_space<vmem>>, vector<16xf32>,
      %mul3A_826 = arith.mulf %get3A_822, %get3A_825 : vector<16xf32>
      %add3A_827 = arith.addf %add3A_819, %mul3A_826 : vector<16xf32>
      %get3A_828 = arith.index_cast %add3A_801 : i32 to index
      %get3A_829 = arith.constant 48 : index
      %get3A_830 = tpu.vector_load %arg9[%get3A_828, %get3A_829] {strides = array<i32>} : memref<512x64xf32, #tpu.memory_space<vmem>>, vector<16xf32>,
      %get3A_831 = arith.index_cast %add3A_801 : i32 to index
      %get3A_832 = arith.constant 48 : index
      %get3A_833 = tpu.vector_load %arg10[%get3A_831, %get3A_832] {strides = array<i32>} : memref<512x64xf32, #tpu.memory_space<vmem>>, vector<16xf32>,
      %mul3A_834 = arith.mulf %get3A_830, %get3A_833 : vector<16xf32>
      %add3A_835 = arith.addf %add3A_827, %mul3A_834 : vector<16xf32>
      %eq3A_836 = arith.constant 13 : i32
      %eq3A_837 = vector.broadcast %eq3A_836 : i32 to vector<16xi32>
      %eq3A_838 = arith.cmpi eq, %iota3A, %eq3A_837 : vector<16xi32>
      %reduce_sum3A_839 = arith.constant true
      %reduce_sum3A_840 = vector.broadcast %reduce_sum3A_839 : i1 to vector<16xi1>
      %reduce_sum3A_841 = tpu.scan <sum>, %add3A_835 masked %reduce_sum3A_840 : vector<16xf32>, vector<16xi1> -> vector<16xf32>
      %reduce_sum3A_842 = vector.extract %reduce_sum3A_841[15] : f32 from vector<16xf32>
      %broadcast_in_dim3A_843 = vector.broadcast %reduce_sum3A_842 : f32 to vector<16xf32>
      %select_n3A_844 = arith.select %eq3A_838, %broadcast_in_dim3A_843, %select_n3A_797 : vector<16xi1>, vector<16xf32>
      %mul3A_845 = arith.constant 16 : i32
      %mul3A_846 = arith.muli %scan3A_189, %mul3A_845 : i32
      %add3A_847 = arith.constant 14 : i32
      %add3A_848 = arith.addi %mul3A_846, %add3A_847 : i32
      %broadcast_in_dim3A_849 = arith.constant 0.000000e+00 : f32
      %broadcast_in_dim3A_850 = vector.broadcast %broadcast_in_dim3A_849 : f32 to vector<16xf32>
      %get3A_851 = arith.index_cast %add3A_848 : i32 to index
      %get3A_852 = arith.constant 0 : index
      %get3A_853 = tpu.vector_load %arg9[%get3A_851, %get3A_852] {strides = array<i32>} : memref<512x64xf32, #tpu.memory_space<vmem>>, vector<16xf32>,
      %get3A_854 = arith.index_cast %add3A_848 : i32 to index
      %get3A_855 = arith.constant 0 : index
      %get3A_856 = tpu.vector_load %arg10[%get3A_854, %get3A_855] {strides = array<i32>} : memref<512x64xf32, #tpu.memory_space<vmem>>, vector<16xf32>,
      %mul3A_857 = arith.mulf %get3A_853, %get3A_856 : vector<16xf32>
      %add3A_858 = arith.addf %broadcast_in_dim3A_850, %mul3A_857 : vector<16xf32>
      %get3A_859 = arith.index_cast %add3A_848 : i32 to index
      %get3A_860 = arith.constant 16 : index
      %get3A_861 = tpu.vector_load %arg9[%get3A_859, %get3A_860] {strides = array<i32>} : memref<512x64xf32, #tpu.memory_space<vmem>>, vector<16xf32>,
      %get3A_862 = arith.index_cast %add3A_848 : i32 to index
      %get3A_863 = arith.constant 16 : index
      %get3A_864 = tpu.vector_load %arg10[%get3A_862, %get3A_863] {strides = array<i32>} : memref<512x64xf32, #tpu.memory_space<vmem>>, vector<16xf32>,
      %mul3A_865 = arith.mulf %get3A_861, %get3A_864 : vector<16xf32>
      %add3A_866 = arith.addf %add3A_858, %mul3A_865 : vector<16xf32>
      %get3A_867 = arith.index_cast %add3A_848 : i32 to index
      %get3A_868 = arith.constant 32 : index
      %get3A_869 = tpu.vector_load %arg9[%get3A_867, %get3A_868] {strides = array<i32>} : memref<512x64xf32, #tpu.memory_space<vmem>>, vector<16xf32>,
      %get3A_870 = arith.index_cast %add3A_848 : i32 to index
      %get3A_871 = arith.constant 32 : index
      %get3A_872 = tpu.vector_load %arg10[%get3A_870, %get3A_871] {strides = array<i32>} : memref<512x64xf32, #tpu.memory_space<vmem>>, vector<16xf32>,
      %mul3A_873 = arith.mulf %get3A_869, %get3A_872 : vector<16xf32>
      %add3A_874 = arith.addf %add3A_866, %mul3A_873 : vector<16xf32>
      %get3A_875 = arith.index_cast %add3A_848 : i32 to index
      %get3A_876 = arith.constant 48 : index
      %get3A_877 = tpu.vector_load %arg9[%get3A_875, %get3A_876] {strides = array<i32>} : memref<512x64xf32, #tpu.memory_space<vmem>>, vector<16xf32>,
      %get3A_878 = arith.index_cast %add3A_848 : i32 to index
      %get3A_879 = arith.constant 48 : index
      %get3A_880 = tpu.vector_load %arg10[%get3A_878, %get3A_879] {strides = array<i32>} : memref<512x64xf32, #tpu.memory_space<vmem>>, vector<16xf32>,
      %mul3A_881 = arith.mulf %get3A_877, %get3A_880 : vector<16xf32>
      %add3A_882 = arith.addf %add3A_874, %mul3A_881 : vector<16xf32>
      %eq3A_883 = arith.constant 14 : i32
      %eq3A_884 = vector.broadcast %eq3A_883 : i32 to vector<16xi32>
      %eq3A_885 = arith.cmpi eq, %iota3A, %eq3A_884 : vector<16xi32>
      %reduce_sum3A_886 = arith.constant true
      %reduce_sum3A_887 = vector.broadcast %reduce_sum3A_886 : i1 to vector<16xi1>
      %reduce_sum3A_888 = tpu.scan <sum>, %add3A_882 masked %reduce_sum3A_887 : vector<16xf32>, vector<16xi1> -> vector<16xf32>
      %reduce_sum3A_889 = vector.extract %reduce_sum3A_888[15] : f32 from vector<16xf32>
      %broadcast_in_dim3A_890 = vector.broadcast %reduce_sum3A_889 : f32 to vector<16xf32>
      %select_n3A_891 = arith.select %eq3A_885, %broadcast_in_dim3A_890, %select_n3A_844 : vector<16xi1>, vector<16xf32>
      %mul3A_892 = arith.constant 16 : i32
      %mul3A_893 = arith.muli %scan3A_189, %mul3A_892 : i32
      %add3A_894 = arith.constant 15 : i32
      %add3A_895 = arith.addi %mul3A_893, %add3A_894 : i32
      %broadcast_in_dim3A_896 = arith.constant 0.000000e+00 : f32
      %broadcast_in_dim3A_897 = vector.broadcast %broadcast_in_dim3A_896 : f32 to vector<16xf32>
      %get3A_898 = arith.index_cast %add3A_895 : i32 to index
      %get3A_899 = arith.constant 0 : index
      %get3A_900 = tpu.vector_load %arg9[%get3A_898, %get3A_899] {strides = array<i32>} : memref<512x64xf32, #tpu.memory_space<vmem>>, vector<16xf32>,
      %get3A_901 = arith.index_cast %add3A_895 : i32 to index
      %get3A_902 = arith.constant 0 : index
      %get3A_903 = tpu.vector_load %arg10[%get3A_901, %get3A_902] {strides = array<i32>} : memref<512x64xf32, #tpu.memory_space<vmem>>, vector<16xf32>,
      %mul3A_904 = arith.mulf %get3A_900, %get3A_903 : vector<16xf32>
      %add3A_905 = arith.addf %broadcast_in_dim3A_897, %mul3A_904 : vector<16xf32>
      %get3A_906 = arith.index_cast %add3A_895 : i32 to index
      %get3A_907 = arith.constant 16 : index
      %get3A_908 = tpu.vector_load %arg9[%get3A_906, %get3A_907] {strides = array<i32>} : memref<512x64xf32, #tpu.memory_space<vmem>>, vector<16xf32>,
      %get3A_909 = arith.index_cast %add3A_895 : i32 to index
      %get3A_910 = arith.constant 16 : index
      %get3A_911 = tpu.vector_load %arg10[%get3A_909, %get3A_910] {strides = array<i32>} : memref<512x64xf32, #tpu.memory_space<vmem>>, vector<16xf32>,
      %mul3A_912 = arith.mulf %get3A_908, %get3A_911 : vector<16xf32>
      %add3A_913 = arith.addf %add3A_905, %mul3A_912 : vector<16xf32>
      %get3A_914 = arith.index_cast %add3A_895 : i32 to index
      %get3A_915 = arith.constant 32 : index
      %get3A_916 = tpu.vector_load %arg9[%get3A_914, %get3A_915] {strides = array<i32>} : memref<512x64xf32, #tpu.memory_space<vmem>>, vector<16xf32>,
      %get3A_917 = arith.index_cast %add3A_895 : i32 to index
      %get3A_918 = arith.constant 32 : index
      %get3A_919 = tpu.vector_load %arg10[%get3A_917, %get3A_918] {strides = array<i32>} : memref<512x64xf32, #tpu.memory_space<vmem>>, vector<16xf32>,
      %mul3A_920 = arith.mulf %get3A_916, %get3A_919 : vector<16xf32>
      %add3A_921 = arith.addf %add3A_913, %mul3A_920 : vector<16xf32>
      %get3A_922 = arith.index_cast %add3A_895 : i32 to index
      %get3A_923 = arith.constant 48 : index
      %get3A_924 = tpu.vector_load %arg9[%get3A_922, %get3A_923] {strides = array<i32>} : memref<512x64xf32, #tpu.memory_space<vmem>>, vector<16xf32>,
      %get3A_925 = arith.index_cast %add3A_895 : i32 to index
      %get3A_926 = arith.constant 48 : index
      %get3A_927 = tpu.vector_load %arg10[%get3A_925, %get3A_926] {strides = array<i32>} : memref<512x64xf32, #tpu.memory_space<vmem>>, vector<16xf32>,
      %mul3A_928 = arith.mulf %get3A_924, %get3A_927 : vector<16xf32>
      %add3A_929 = arith.addf %add3A_921, %mul3A_928 : vector<16xf32>
      %eq3A_930 = arith.constant 15 : i32
      %eq3A_931 = vector.broadcast %eq3A_930 : i32 to vector<16xi32>
      %eq3A_932 = arith.cmpi eq, %iota3A, %eq3A_931 : vector<16xi32>
      %reduce_sum3A_933 = arith.constant true
      %reduce_sum3A_934 = vector.broadcast %reduce_sum3A_933 : i1 to vector<16xi1>
      %reduce_sum3A_935 = tpu.scan <sum>, %add3A_929 masked %reduce_sum3A_934 : vector<16xf32>, vector<16xi1> -> vector<16xf32>
      %reduce_sum3A_936 = vector.extract %reduce_sum3A_935[15] : f32 from vector<16xf32>
      %broadcast_in_dim3A_937 = vector.broadcast %reduce_sum3A_936 : f32 to vector<16xf32>
      %select_n3A_938 = arith.select %eq3A_932, %broadcast_in_dim3A_937, %select_n3A_891 : vector<16xi1>, vector<16xf32>
      %mul3A_939 = arith.constant 16 : i32
      %mul3A_940 = arith.muli %scan3A_189, %mul3A_939 : i32
      %swap3A = arith.index_cast %mul3A_940 : i32 to index
      %swap3A_941 = tpu.vector_load %arg11[%swap3A] {strides = array<i32>} : memref<512xf32, #tpu.memory_space<vmem>>, vector<16xf32>,
      tpu.vector_store %arg11[%swap3A], %select_n3A_938 {strides = array<i32>} : memref<512xf32, #tpu.memory_space<vmem>>, vector<16xf32>,
    }
    %scan3A_188 = arith.constant 32 : i32
    "tpu.region"() ({
      %run_scoped3A_189 = tpu.sem_alloc : memref<!tpu.dma_semaphore, #tpu.memory_space<semaphore_mem>>
      %dma_start3A_190 = tpu.memref_slice %arg6[%mul3A_2] : memref<16384xf32, #tpu.memory_space<hbm>> -> memref<512xf32, #tpu.memory_space<hbm>>
      %dma_start3A_191 = tpu.memref_slice %arg6[%mul3A_2] : memref<16384xf32, #tpu.memory_space<hbm>> -> memref<512xf32, #tpu.memory_space<hbm>>
      tpu.enqueue_dma source(%arg11 : memref<512xf32, #tpu.memory_space<vmem>>) target(%dma_start3A_191 : memref<512xf32, #tpu.memory_space<hbm>>) target_semaphore(%run_scoped3A_189 : memref<!tpu.dma_semaphore, #tpu.memory_space<semaphore_mem>>)
      %dma_wait3A_192 = tpu.memref_slice %arg6[%mul3A_2] : memref<16384xf32, #tpu.memory_space<hbm>> -> memref<512xf32, #tpu.memory_space<hbm>>
      %dma_wait3A_193 = tpu.memref_slice %arg6[%mul3A_2] : memref<16384xf32, #tpu.memory_space<hbm>> -> memref<512xf32, #tpu.memory_space<hbm>>
      tpu.wait_dma2 semaphore(%run_scoped3A_189 : memref<!tpu.dma_semaphore, #tpu.memory_space<semaphore_mem>>) src(%arg11 : memref<512xf32, #tpu.memory_space<vmem>>) dst(%dma_wait3A_193 : memref<512xf32, #tpu.memory_space<hbm>>)
      tpu.yield
    }) : () -> ()
    return
  }
}

</mosaic_0001>

<sc_bundles>
// kernel: kernel.3.cloned.1.call-start
scs
__scs_entry_jumppad:
0x0: {  	(pc) =	sbr.rel $0x88, $3  }
0x1: {  	(tag) =	ssettag $0x0;
	lr =	simm.s32 $0x1  }
0x2: {  	[smem:$0x3F9D] =	sst lr;
	_ =	strace $0xD0000000  }
0x3: {  	_ = 	snop  }
0x4: {  	_ = 	snop  }
0x5: {  	_ = 	snop  }
0x6: {  	_ = 	snop  }
0x7: {  	_ = 	snop  }
__scs_overlays_trampoline_lowered:
0x8: {  	[smem:$0x3FAC] =	sst s0  }
0x9: {  	[smem:$0x3FAD] =	sst s1  }
0xa: {  	[smem:$0x3FAE] =	sst s2  }
0xb: {  	[smem:$0x3FAF] =	sst s3  }
0xc: {  	[smem:$0x3FB0] =	sst s4  }
0xd: {  	[smem:$0x3FB1] =	sst s5  }
0xe: {  	[smem:$0x3FB2] =	sst s6  }
0xf: {  	[smem:$0x3FB3] =	sst s7  }
0x10: {  	[smem:$0x3FB4] =	sst s8  }
0x11: {  	[smem:$0x3FB5] =	sst s9;
	s0 =	simm.s32 @!p0 $0x0  }
0x12: {  	s1 =	sld [smem:$0x3F9B];
	s0 =	simm.s32 @p0 $0x1  }
0x13: {  	[smem:$0x3FB6] =	sst s0;
	s0 =	simm.s32 @!p1 $0x0  }
0x14: {  	s2 =	sld [smem:$0x3F9A];
	s0 =	simm.s32 @p1 $0x1  }
0x15: {  	[smem:$0x3FB7] =	sst s0;
	s0 =	simm.s32 @!p2 $0x0  }
0x16: {  	s3 =	sld [smem:$0x3FDB];
	s0 =	simm.s32 @p2 $0x1  }
0x17: {  	s4 =	simm.s32 $0x1BF5;
	[smem:$0x3FB9] =	sst s0  }
0x18: {  	s0 =	sld [smem:$0x3F9C];
	_ =	swait.ge [sflag:s4], $0x0  }
0x19: {  	s7 =	sld [smem:$0x3F9D]  }
0x1a: {  	s8 =	sadd.s32 $0xFFFFE003, lr  }
0x1b: {  	s9 =	sadd.s32 $0xFFFFFEF7, lr;
	s5 =	simm.s32 $0xFFFFFFFF;
	p2 =	slt.u32 s8, $0xFFFFF086  }
0x1c: {  	p1 =	slt.u32 s9, $0xF7A;
	s5 =	simm.s32 @!p2 $0x0  }
0x1d: {  	s5 =	simm.s32 @p1 $0x1;
	p0 =	seq.s32 s7, s2  }
0x1e: {  	s7 =	smul.u32 @!p0 $0xF7A, s2;
	p2 =	seq.s32 @!p0 s5, $0x0  }
0x1f: {  	s9 =	smul.u32 $0xF7A, s1;
	s8 =	simm.s32 @!p0 $0x1BF5;
	p2 =	por !p2, p0  }
0x20: {  	[sflag:s8] =	ssyncset.s32 @!p0 $0xFFFFF086;
	s6 =	sadd.s32 @!p0 s3, s7;
	s7 =	simm.s32 @!p0 $0x108  }
0x21: {  	s3 =	sadd.s32 s3, s9;
	s6 =	sadd.s32 @!p0 $0x88, s6;
	s7 =	simm.s32 @p2 $0x1082  }
0x22: {  	[simem:s7], [sflag:s8] =	dma.local @!p0 [hbm:s6], $0xF7A  }
0x23: {  	s9 =	sor.u32 $0xD0000000, s2;
	s6 =	simm.s32 $0x108;
	_ =	swait.ge @!p0 [sflag:s8], $0x0  }
0x24: {  	s3 =	sadd.s32 $0x88, s3;
	s6 =	simm.s32 @!p1 $0x1082;
	[sflag:s4] =	ssyncset.s32 $0xFFFFF086  }
0x25: {  	[simem:s6], [sflag:s4] =	dma.local [hbm:s3], $0xF7A  }
0x26: {  	[smem:$0x3F9D] =	sst s1;
	(tag) =	ssettag s2;
	_ =	strace s9  }
0x27: {  	s1 =	sld [smem:$0x3FAD]  }
0x28: {  	s2 =	sld [smem:$0x3FAE]  }
0x29: {  	s4 =	sld [smem:$0x3FB0]  }
0x2a: {  	p0 =	seq.s32 s5, $0x0;
	s5 =	sld [smem:$0x3FB1]  }
0x2b: {  	s6 =	sld [smem:$0x3FB2]  }
0x2c: {  	s7 =	sld [smem:$0x3FB3]  }
0x2d: {  	s3 =	simm.s32 $0x108;
	s8 =	sld [smem:$0x3FB4]  }
0x2e: {  	s3 =	simm.s32 @!p0 $0x1082;
	s9 =	sld [smem:$0x3FB5]  }
0x2f: {  	lr =	sadd.s32 s0, s3;
	s0 =	sld [smem:$0x3FAC]  }
0x30: {  	s3 =	sld [smem:$0x3FAF]  }
0x31: {  	[smem:$0x3FB8] =	sst s10  }
0x32: {  	s10 =	sld [smem:$0x3FB6];
	_ =	sdelay $0x3  }
0x33: {  	p0 =	seq.s32 s10, $0x1;
	s10 =	sld [smem:$0x3FB8];
	_ =	sdelay $0x3  }
0x34: {  	[smem:$0x3FB8] =	sst s10  }
0x35: {  	s10 =	sld [smem:$0x3FB7];
	_ =	sdelay $0x3  }
0x36: {  	p1 =	seq.s32 s10, $0x1;
	s10 =	sld [smem:$0x3FB8];
	_ =	sdelay $0x3  }
0x37: {  	[smem:$0x3FB8] =	sst s10  }
0x38: {  	s10 =	sld [smem:$0x3FB9]  }
0x39: {  	_ = 	snop;
	(pc) =	sbr.ind lr, $3  }
0x3a: {  	_ = 	snop  }
0x3b: {  	_ = 	snop  }
0x3c: {  	p2 =	seq.s32 s10, $0x1;
	s10 =	sld [smem:$0x3FB8]  }
0x3d: {  	_ =	shalt  }
0x3e: {  	_ =	shalt  }
0x3f: {  	_ =	shalt  }
0x40: {  	_ =	shalt  }
0x41: {  	_ =	shalt  }
0x42: {  	_ =	shalt  }
0x43: {  	_ =	shalt  }
0x44: {  	_ =	shalt  }
0x45: {  	_ =	shalt  }
0x46: {  	_ =	shalt  }
0x47: {  	_ =	shalt  }
0x48: {  	_ =	shalt  }
0x49: {  	_ =	shalt  }
0x4a: {  	_ =	shalt  }
0x4b: {  	_ =	shalt  }
0x4c: {  	_ =	shalt  }
0x4d: {  	_ =	shalt  }
0x4e: {  	_ =	shalt  }
0x4f: {  	_ =	shalt  }
0x50: {  	_ =	shalt  }
0x51: {  	_ =	shalt  }
0x52: {  	_ =	shalt  }
0x53: {  	_ =	shalt  }
0x54: {  	_ =	shalt  }
0x55: {  	_ =	shalt  }
0x56: {  	_ =	shalt  }
0x57: {  	_ =	shalt  }
0x58: {  	_ =	shalt  }
0x59: {  	_ =	shalt  }
0x5a: {  	_ =	shalt  }
0x5b: {  	_ =	shalt  }
0x5c: {  	_ =	shalt  }
0x5d: {  	_ =	shalt  }
0x5e: {  	_ =	shalt  }
0x5f: {  	_ =	shalt  }
0x60: {  	_ =	shalt  }
0x61: {  	_ =	shalt  }
0x62: {  	_ =	shalt  }
0x63: {  	_ =	shalt  }
0x64: {  	_ =	shalt  }
0x65: {  	_ =	shalt  }
0x66: {  	_ =	shalt  }
0x67: {  	_ =	shalt  }
0x68: {  	_ =	shalt  }
0x69: {  	_ =	shalt  }
0x6a: {  	_ =	shalt  }
0x6b: {  	_ =	shalt  }
0x6c: {  	_ =	shalt  }
0x6d: {  	_ =	shalt  }
0x6e: {  	_ =	shalt  }
0x6f: {  	_ =	shalt  }
0x70: {  	_ =	shalt  }
0x71: {  	_ =	shalt  }
0x72: {  	_ =	shalt  }
0x73: {  	_ =	shalt  }
0x74: {  	_ =	shalt  }
0x75: {  	_ =	shalt  }
0x76: {  	_ =	shalt  }
0x77: {  	_ =	shalt  }
0x78: {  	_ =	shalt  }
0x79: {  	_ =	shalt  }
0x7a: {  	_ =	shalt  }
0x7b: {  	_ =	shalt  }
0x7c: {  	_ =	shalt  }
0x7d: {  	_ =	shalt  }
0x7e: {  	_ =	shalt  }
0x7f: {  	_ =	shalt  }
0x80: {  	_ =	shalt  }
0x81: {  	_ =	shalt  }
0x82: {  	_ =	shalt  }
0x83: {  	_ =	shalt  }
0x84: {  	_ =	shalt  }
0x85: {  	_ =	shalt  }
0x86: {  	_ =	shalt  }
0x87: {  	_ =	shalt  }
.Lfunc_end0:
.L_simem_size_0:
called_computation_lowered:
.L_overlay_start_0:
0x88: {  	s2 =	sld [smem:$0x3FD9]  }
0x89: {  	s3 =	sld [smem:$0x3FFE];
	_ =	sdelay $0x1  }
0x8a: {  	s1 =	srdreg.scid  }
0x8b: {  	s0 =	sand.u32 $0x1, s1  }
0x8c: {  	s17 =	sshll.u32 s0, $0xA;
	s2 =	sadd.s32 s3, s2  }
0x8d: {  	s2 =	sadd.s32 s2, s17  }
0x8e: {  	[smem:$0x3FC4] =	sst s2  }
0x8f: {  	_ = 	snop  }
0x90: {  	s2 =	sld [smem:$0x3FC9]  }
0x91: {  	s18 =	sld [smem:$0x3FC8]  }
0x92: {  	s4 =	sld [smem:$0x3FD0];
	(tm) =	ssettm $0x1  }
0x93: {  	s5 =	sld [smem:$0x3FFB];
	_ =	sdelay $0x3  }
0x94: {  	_ =	strace s5  }
0x95: {  	s5 =	sld [smem:$0x3FFC];
	_ =	sdelay $0x3  }
0x96: {  	_ =	strace s5  }
0x97: {  	s5 =	sld [smem:$0x3FFD];
	_ =	sdelay $0x3  }
0x98: {  	_ =	strace s5  }
0x99: {  	_ =	strace $0x8FFFFFFF  }
0x9a: {  	s19 =	sld [smem:$0x3FDB];
	_ =	sdelay $0x1  }
0x9b: {  	s6 =	simm.s32 $_scs_section_size  }
0x9c: {  	s7 =	simm.s32 $_size__tile_overlayer_lowered;
	s8 =	simm.s32 $_tile_overlayer_lowered  }
0x9d: {  	s22 =	simm.s32 $0x1BFF;
	s21 =	sshll.u32 s8, $0x1;
	s5 =	sadd.s32 s6, s19  }
0x9e: {  	s9 =	simm.s32 $0x0;
	s20 =	sshll.u32 s7, $0x1;
	s7 =	sadd.s32 s21, s5  }
0x9f: {  	[timem:s9], [sflag:s22] =	dma.local [hbm:s7], s20  }
0xa0: {  	_ =	swait.ge [sflag:s22], s20  }
0xa1: {  	s6 =	ssub.s32 $0x0, s20;
	[sflag:s22] =	ssyncset.done $0x0  }
0xa2: {  	[sflag:s22] =	ssyncadd.s32 s6;
	_ =	sdelay $0x1  }
0xa3: {  	s23 =	simm.s32 $0x1B8B  }
0xa4: {  	_ =	swait.ge [sflag:s23], $0x1  }
0xa5: {  	[sflag:s23] =	ssyncset.done $0x0  }
0xa6: {  	s25 =	simm.s32 $0x1B8E;
	s24 =	sld [smem:$0x3FFE];
	[sflag:s23] =	ssyncadd.s32 $0xFFFFFFFF  }
0xa7: {  	s26 =	simm.s32 $execute0_lowered;
	[smem:$0x3FD2] =	sst s25  }
0xa8: {  	s7 =	sshll.u32 s26, $0x1;
	_ =	strace $0x80000046;
	[dreg:$0x1] =	wrdreg $0xFFFFFFFF  }
0xa9: {  	s28 =	simm.s32 $_size_execute0_lowered;
	s5 =	sadd.s32 s5, s7;
	[dreg:$0x0] =	wrdreg $0x0  }
0xaa: {  	s7 =	sshll.u32 s28, $0x1;
	[dreg:$0x2] =	wrdreg s5  }
0xab: {  	[dreg:$0x3] =	wrdreg s7  }
0xac: {  	[dreg:$0x4] =	wrdreg $0xC0  }
0xad: {  	_ =	task [dreg:s9], $0x5FFFF  }
0xae: {  	[dreg:$0x1] =	wrdreg $0xFFFFFFFF  }
0xaf: {  	[dreg:$0x0] =	wrdreg $0x60  }
0xb0: {  	[dreg:$0x2] =	wrdreg s2  }
0xb1: {  	[dreg:$0x3] =	wrdreg s18  }
0xb2: {  	[dreg:$0x4] =	wrdreg s24  }
0xb3: {  	[dreg:$0x5] =	wrdreg s4  }
0xb4: {  	[dreg:$0x6] =	wrdreg $0x9  }
0xb5: {  	_ =	task.clear_ibuf [dreg:s9], $0x7FFFF;
	_ =	strace $0x90000046  }
0xb6: {  	s29 =	simm.s32 $0x9;
	_ =	strace $0x80000048  }
0xb7: {  	_ =	swait.ge [sflag:s29], $0x1  }
0xb8: {  	[sflag:s29] =	ssyncadd.s32 $0xFFFFFFFF  }
0xb9: {  	_ =	strace $0x90000048  }
0xba: {  	_ =	sfence  }
0xbb: {  	s30 =	sld [smem:$0x0];
	_ =	sdelay $0x2  }
0xbc: {  	s31 =	sshll.u32 s1, $0xD;
	s1 =	sshrl.u32 s1, $0x2  }
0xbd: {  	s3 =	sand.u32 $0x4000, s31;
	s1 =	sadd.s32 s1, s30  }
0xbe: {  	s0 =	sor.u32 s3, s0;
	s1 =	sshll.u32 s1, $0x11  }
0xbf: {  	s0 =	sor.u32 s1, s0  }
0xc0: {  	s0 =	sadd.s32 $0x8F2B, s0  }
0xc1: {  	[sflag:s0] =	ssyncadd.remote.s32 $0x1  }
0xc2: {  	_ =	sfence.sel $0xFFFF  }
0xc3: {  	[dreg:$0x0] =	wrdreg $0xFFFFFFFF;
	(pc) =	sbr.abs _section_cstart, $3  }
0xc4: {  	[dreg:$0x1] =	wrdreg $0xFFFFFFFF  }
0xc5: {  	_ =	task.clear_ibuf [dreg:s9], $0x2FFFF;
	_ =	strace $0x9FFFFFFF  }
0xc6: {  	(tm) =	ssettm $0x7FFFFFFF  }
0xc7: {  	_ =	shalt  }
tec
execute0_lowered:
.L_overlay_start_1:
0x0: {  	(tag) =	ssettag $0x1  }
0x1: {  	s0 =	rddreg [dreg:$0x0]  }
0x2: {  	s2 =	rddreg [dreg:$0x1]  }
0x3: {  	s4 =	rddreg [dreg:$0x2]  }
0x4: {  	s13 =	rddreg [dreg:$0x3]  }
0x5: {  	s1 =	simm.s32 $0x0;
	s5 =	srdreg.scid;
	s7 =	stileid.u32  }
0x6: {  	s16 =	simm.s32 $0x200;
	s17 =	simm.s32 $0x80;
	s18 =	simm.s32 $0x280  }
0x7: {  	s19 =	simm.s32 $0x100;
	s20 =	simm.s32 $0x300;
	s21 =	simm.s32 $0x180  }
0x8: {  	s22 =	simm.s32 $0x380;
	s28 =	simm.s32 $0x4400;
	s29 =	simm.s32 $0xC400  }
0x9: {  	s30 =	simm.s32 $0x6400;
	s31 =	simm.s32 $0xE400;
	s23 =	simm.s32 $0x0  }
0xa: {  	[smem:$0x7FF] =	sst s1;
	s3 =	sadd.s32 $0xF42800, s4;
	s5 =	sand.u32 $0x1, s5  }
0xb: {  	s7 =	sshll.u32 s7, $0x7;
	s6 =	ssub.s32 $0x2, s5;
	s5 =	sshll.u32 s5, $0x6  }
0xc: {  	s4 =	sadd.s32 $0x16E3A00, s4;
	s8 =	sshrl.u32 s6, $0x1;
	s14 =	sor.u32 s5, s7  }
0xd: {  	_ =	strace $0x80000047;
	s15 =	ssub.s32 s6, s8;
	s5 =	sadd.s32 s0, s14  }
0xe: {  	vm0 =	vmmov $0x1;
	vm1 =	vmmov $0x3;
	vm2 =	vmmov $0x7;
	s26 =	sor.u32 $0x10, s14;
	s6 =	sadd.s32 s2, s14;
	s10 =	sor.u32 $0x20, s14  }
0xf: {  	vm3 =	vmmov $0xf;
	vm4 =	vmmov $0x1f;
	vm5 =	vmmov $0x3f;
	s12 =	sor.u32 $0x30, s14;
	s13 =	sadd.s32 s13, s14;
	s7 =	sadd.s32 s0, s26  }
0x10: {  	vm6 =	vmmov $0x7f;
	vm7 =	vmmov $0xff;
	vm8 =	vmmov $0x1ff;
	s8 =	sadd.s32 s2, s26;
	s9 =	sadd.s32 s0, s10;
	s10 =	sadd.s32 s2, s10  }
0x11: {  	vm9 =	vmmov $0x3ff;
	vm10 =	vmmov $0x7ff;
	vm11 =	vmmov $0xfff;
	s11 =	sadd.s32 s0, s12;
	s12 =	sadd.s32 s2, s12;
	s14 =	smax.u32 s15, $0x1  }
0x12: {  	vm12 =	vmmov $0x1fff;
	vm13 =	vmmov $0x3fff;
	vm14 =	vmmov $0x7fff;
	s15 =	simm.s32 $0x2;
	s0 =	simm.s32 $0x1;
	s2 =	simm.s32 $0x10400  }
.LBB2_1:
0x13: {  	[tilespmem:s1], [sflag:$0x2] =	stream.linear.gather [hbm4b:s5+s1], $0x80, $0x38;
	[tilespmem:$0x10600] =	vst v63  }
0x14: {  	_ =	swait.ge [sflag:s15], $0x80  }
0x15: {  	[sflag:s15] =	ssyncset.done $0x0  }
0x16: {  	[sflag:s15] =	ssyncadd.s32 $0xFFFFFF80  }
0x17: {  	[tilespmem:s16], [sflag:$0x2] =	stream.linear.gather [hbm4b:s6+s1], $0x80, $0x38;
	[tilespmem:$0x10600] =	vst v63  }
0x18: {  	_ =	swait.ge [sflag:s15], $0x80  }
0x19: {  	[sflag:s15] =	ssyncset.done $0x0  }
0x1a: {  	[sflag:s15] =	ssyncadd.s32 $0xFFFFFF80  }
0x1b: {  	[tilespmem:s17], [sflag:$0x2] =	stream.linear.gather [hbm4b:s7+s1], $0x80, $0x38;
	[tilespmem:$0x10600] =	vst v63  }
0x1c: {  	_ =	swait.ge [sflag:s15], $0x80  }
0x1d: {  	[sflag:s15] =	ssyncset.done $0x0  }
0x1e: {  	[sflag:s15] =	ssyncadd.s32 $0xFFFFFF80  }
0x1f: {  	[tilespmem:s18], [sflag:$0x2] =	stream.linear.gather [hbm4b:s8+s1], $0x80, $0x38;
	[tilespmem:$0x10600] =	vst v63  }
0x20: {  	_ =	swait.ge [sflag:s15], $0x80  }
0x21: {  	[sflag:s15] =	ssyncset.done $0x0  }
0x22: {  	[sflag:s15] =	ssyncadd.s32 $0xFFFFFF80  }
0x23: {  	[tilespmem:s19], [sflag:$0x2] =	stream.linear.gather [hbm4b:s9+s1], $0x80, $0x38;
	[tilespmem:$0x10600] =	vst v63  }
0x24: {  	_ =	swait.ge [sflag:s15], $0x80  }
0x25: {  	[sflag:s15] =	ssyncset.done $0x0  }
0x26: {  	[sflag:s15] =	ssyncadd.s32 $0xFFFFFF80  }
0x27: {  	[tilespmem:s20], [sflag:$0x2] =	stream.linear.gather [hbm4b:s10+s1], $0x80, $0x38;
	[tilespmem:$0x10600] =	vst v63  }
0x28: {  	_ =	swait.ge [sflag:s15], $0x80  }
0x29: {  	[sflag:s15] =	ssyncset.done $0x0  }
0x2a: {  	[sflag:s15] =	ssyncadd.s32 $0xFFFFFF80  }
0x2b: {  	[tilespmem:s21], [sflag:$0x2] =	stream.linear.gather [hbm4b:s11+s1], $0x80, $0x38;
	[tilespmem:$0x10600] =	vst v63  }
0x2c: {  	_ =	swait.ge [sflag:s15], $0x80  }
0x2d: {  	[sflag:s15] =	ssyncset.done $0x0  }
0x2e: {  	[sflag:s15] =	ssyncadd.s32 $0xFFFFFF80  }
0x2f: {  	[tilespmem:s22], [sflag:$0x2] =	stream.linear.gather [hbm4b:s12+s1], $0x80, $0x38;
	[tilespmem:$0x10600] =	vst v63  }
0x30: {  	_ =	swait.ge [sflag:s15], $0x80  }
0x31: {  	[sflag:s15] =	ssyncset.done $0x0  }
0x32: {  	s24 =	simm.s32 $0x400;
	[sflag:s15] =	ssyncadd.s32 $0xFFFFFF80  }
0x33: {  	[tilespmem:s24], [sflag:$0x1] =	stream.indirect.gather [hbm4b:s3+s17], $0x40, s1, s17, $0xb8;
	[tilespmem:$0x10600] =	vst v63  }
0x34: {  	s25 =	simm.s32 $0x8400  }
0x35: {  	[tilespmem:s25], [sflag:$0x1] =	stream.indirect.gather [hbm4b:s4+s17], $0x40, s16, s17, $0xb8;
	[tilespmem:$0x10600] =	vst v63  }
0x36: {  	s26 =	simm.s32 $0x2400  }
0x37: {  	[tilespmem:s26], [sflag:$0x1] =	stream.indirect.gather [hbm4b:s3+s17], $0x40, s17, s17, $0xb8;
	[tilespmem:$0x10600] =	vst v63  }
0x38: {  	s25 =	simm.s32 $0xA400  }
0x39: {  	[tilespmem:s25], [sflag:$0x1] =	stream.indirect.gather [hbm4b:s4+s17], $0x40, s18, s17, $0xb8;
	[tilespmem:$0x10600] =	vst v63  }
0x3a: {  	_ = 	snop  }
0x3b: {  	[tilespmem:s28], [sflag:$0x1] =	stream.indirect.gather [hbm4b:s3+s17], $0x40, s19, s17, $0xb8;
	[tilespmem:$0x10600] =	vst v63  }
0x3c: {  	_ = 	snop  }
0x3d: {  	[tilespmem:s29], [sflag:$0x1] =	stream.indirect.gather [hbm4b:s4+s17], $0x40, s20, s17, $0xb8;
	[tilespmem:$0x10600] =	vst v63  }
0x3e: {  	_ = 	snop  }
0x3f: {  	[tilespmem:s30], [sflag:$0x1] =	stream.indirect.gather [hbm4b:s3+s17], $0x40, s21, s17, $0xb8;
	[tilespmem:$0x10600] =	vst v63  }
0x40: {  	_ = 	snop  }
0x41: {  	[tilespmem:s31], [sflag:$0x1] =	stream.indirect.gather [hbm4b:s4+s17], $0x40, s22, s17, $0xb8;
	[tilespmem:$0x10600] =	vst v63  }
0x42: {  	_ =	swait.ge [sflag:s0], $0x2000  }
0x43: {  	[sflag:s0] =	ssyncset.done $0x0  }
0x44: {  	[sflag:s0] =	ssyncadd.s32 $0xFFFFE000  }
0x45: {  	_ =	swait.ge [sflag:s0], $0x2000  }
0x46: {  	[sflag:s0] =	ssyncset.done $0x0  }
0x47: {  	[sflag:s0] =	ssyncadd.s32 $0xFFFFE000  }
0x48: {  	_ =	swait.ge [sflag:s0], $0x2000  }
0x49: {  	[sflag:s0] =	ssyncset.done $0x0  }
0x4a: {  	[sflag:s0] =	ssyncadd.s32 $0xFFFFE000  }
0x4b: {  	_ =	swait.ge [sflag:s0], $0x2000  }
0x4c: {  	[sflag:s0] =	ssyncset.done $0x0  }
0x4d: {  	[sflag:s0] =	ssyncadd.s32 $0xFFFFE000  }
0x4e: {  	_ =	swait.ge [sflag:s0], $0x2000  }
0x4f: {  	[sflag:s0] =	ssyncset.done $0x0  }
0x50: {  	[sflag:s0] =	ssyncadd.s32 $0xFFFFE000  }
0x51: {  	_ =	swait.ge [sflag:s0], $0x2000  }
0x52: {  	[sflag:s0] =	ssyncset.done $0x0  }
0x53: {  	[sflag:s0] =	ssyncadd.s32 $0xFFFFE000  }
0x54: {  	_ =	swait.ge [sflag:s0], $0x2000  }
0x55: {  	[sflag:s0] =	ssyncset.done $0x0  }
0x56: {  	[sflag:s0] =	ssyncadd.s32 $0xFFFFE000  }
0x57: {  	_ =	swait.ge [sflag:s0], $0x2000  }
0x58: {  	[sflag:s0] =	ssyncset.done $0x0  }
0x59: {  	s26 =	simm.s32 $0x0;
	[sflag:s0] =	ssyncadd.s32 $0xFFFFE000  }
0x5a: {  	v20 =	vld [tilespmem:s26+$0x7B0]  }
0x5b: {  	v21 =	vld [tilespmem:s26+$0x87B0]  }
0x5c: {  	v0 =	vld [tilespmem:s26+$0x7D0]  }
0x5d: {  	v52 =	vld [tilespmem:s26+$0x87D0]  }
0x5e: {  	v22 =	vld [tilespmem:s26+$0x7A0]  }
0x5f: {  	v23 =	vld [tilespmem:s26+$0x87A0]  }
0x60: {  	v53 =	vld [tilespmem:s26+$0x7C0]  }
0x61: {  	v54 =	vld [tilespmem:s26+$0x87C0]  }
0x62: {  	v24 =	vld [tilespmem:s26+$0x730]  }
0x63: {  	v25 =	vld [tilespmem:s26+$0x8730]  }
0x64: {  	v55 =	vld [tilespmem:s26+$0x760]  }
0x65: {  	v26 =	vld [tilespmem:s26+$0x790]  }
0x66: {  	v27 =	vld [tilespmem:s26+$0x8790]  }
0x67: {  	v28 =	vld [tilespmem:s26+$0x6F0]  }
0x68: {  	v29 =	vld [tilespmem:s26+$0x86F0]  }
0x69: {  	v30 =	vld [tilespmem:s26+$0x720]  }
0x6a: {  	v31 =	vld [tilespmem:s26+$0x8720]  }
0x6b: {  	v56 =	vld [tilespmem:s26+$0x750]  }
0x6c: {  	v57 =	vld [tilespmem:s26+$0x8750]  }
0x6d: {  	v32 =	vld [tilespmem:s26+$0x780]  }
0x6e: {  	v33 =	vld [tilespmem:s26+$0x8780]  }
0x6f: {  	v34 =	vld [tilespmem:s26+$0x6E0]  }
0x70: {  	v35 =	vld [tilespmem:s26+$0x86E0]  }
0x71: {  	v36 =	vld [tilespmem:s26+$0x710]  }
0x72: {  	v37 =	vld [tilespmem:s26+$0x8710]  }
0x73: {  	v58 =	vld [tilespmem:s26+$0x740]  }
0x74: {  	v59 =	vld [tilespmem:s26+$0x8740]  }
0x75: {  	v38 =	vld [tilespmem:s26+$0x670]  }
0x76: {  	v39 =	vld [tilespmem:s26+$0x8670]  }
0x77: {  	v60 =	vld [tilespmem:s26+$0x6A0]  }
0x78: {  	v40 =	vld [tilespmem:s26+$0x6D0]  }
0x79: {  	v41 =	vld [tilespmem:s26+$0x86D0]  }
0x7a: {  	v42 =	vld [tilespmem:s26+$0x700]  }
0x7b: {  	v43 =	vld [tilespmem:s26+$0x8700]  }
0x7c: {  	v44 =	vld [tilespmem:s26+$0x630]  }
0x7d: {  	v45 =	vld [tilespmem:s26+$0x8630]  }
0x7e: {  	v46 =	vld [tilespmem:s26+$0x660]  }
0x7f: {  	v47 =	vld [tilespmem:s26+$0x8660]  }
0x80: {  	v61 =	vld [tilespmem:s26+$0x690]  }
0x81: {  	v62 =	vld [tilespmem:s26+$0x8690]  }
0x82: {  	v48 =	vld [tilespmem:s26+$0x6C0]  }
0x83: {  	v49 =	vld [tilespmem:s26+$0x86C0]  }
0x84: {  	v50 =	vld [tilespmem:s26+$0x620]  }
0x85: {  	v51 =	vld [tilespmem:s26+$0x8620]  }
0x86: {  	v63 =	vld [tilespmem:s26+$0x680]  }
0x87: {  	v4 =	vld [tilespmem:s26+$0x8680]  }
0x88: {  	v5 =	vld [tilespmem:s26+$0x5E0]  }
0x89: {  	v6 =	vld [tilespmem:s26+$0x5D0]  }
0x8a: {  	v7 =	vld [tilespmem:s26+$0x85D0]  }
0x8b: {  	v3 =	vld [tilespmem:s26+$0x600]  }
0x8c: {  	v10 =	vld [tilespmem:s26+$0x560]  }
0x8d: {  	v9 =	vld [tilespmem:s26+$0x8560]  }
0x8e: {  	v1 =	vld [tilespmem:s26+$0x5C0]  }
0x8f: {  	v8 =	vld [tilespmem:s26+$0x85C0]  }
0x90: {  	v16 =	vld [tilespmem:s26+$0x4F0]  }
0x91: {  	v15 =	vld [tilespmem:s26+$0x84F0]  }
0x92: {  	v11 =	vld [tilespmem:s26+$0x520]  }
0x93: {  	v2 =	vld [tilespmem:s26+$0x580]  }
0x94: {  	v14 =	vld [tilespmem:s26+$0x4B0]  }
0x95: {  	v13 =	vld [tilespmem:s26+$0x84B0]  }
0x96: {  	v12 =	vld [tilespmem:s26+$0x4E0]  }
0x97: {  	v19 =	vld [tilespmem:s26+$0x510]  }
0x98: {  	v18 =	vld [tilespmem:s26+$0x8510]  }
0x99: {  	v17 =	vld [tilespmem:s26+$0x430]  }
0x9a: {  	[tilespmem:$0x1FEC0] =	vst v52;
	v52 =	vld [tilespmem:s26+$0x650]  }
0x9b: {  	[tilespmem:$0x1FE90] =	vst v53;
	v53 =	vld [tilespmem:s26+$0x8650]  }
0x9c: {  	[tilespmem:$0x1FEA0] =	vst v54;
	v54 =	vld [tilespmem:s26+$0x5B0]  }
0x9d: {  	[tilespmem:$0x1FE80] =	vst v55;
	v55 =	vld [tilespmem:s26+$0x85B0]  }
0x9e: {  	[tilespmem:$0x1FE60] =	vst v56;
	v56 =	vld [tilespmem:s26+$0x610]  }
0x9f: {  	[tilespmem:$0x1FE70] =	vst v57;
	v57 =	vld [tilespmem:s26+$0x8610]  }
0xa0: {  	[tilespmem:$0x1FE30] =	vst v58;
	v58 =	vld [tilespmem:s26+$0x640]  }
0xa1: {  	[tilespmem:$0x1FE40] =	vst v59;
	v59 =	vld [tilespmem:s26+$0x8640]  }
0xa2: {  	[tilespmem:$0x1FE50] =	vst v60;
	v60 =	vld [tilespmem:s26+$0x570]  }
0xa3: {  	[tilespmem:$0x1FE10] =	vst v61;
	v61 =	vld [tilespmem:s26+$0x8570]  }
0xa4: {  	[tilespmem:$0x1FE20] =	vst v62;
	v62 =	vld [tilespmem:s26+$0x5A0]  }
0xa5: {  	[tilespmem:$0x1FDE0] =	vst v63;
	v63 =	vld [tilespmem:s26+$0x85A0]  }
0xa6: {  	[tilespmem:$0x1FEB0] =	vst v0;
	v0 =	vld [tilespmem:s26+$0x8600]  }
0xa7: {  	[tilespmem:$0x1FDC0] =	vst v6;
	v6 =	vld [tilespmem:s26+$0x590]  }
0xa8: {  	[tilespmem:$0x1FE00] =	vst v5;
	v5 =	vld [tilespmem:s26+$0x8590]  }
0xa9: {  	[tilespmem:$0x1FDA0] =	vst v8;
	v8 =	vld [tilespmem:s26+$0x550]  }
0xaa: {  	[tilespmem:$0x1FDD0] =	vst v7;
	v7 =	vld [tilespmem:s26+$0x8550]  }
0xab: {  	[tilespmem:$0x1FD90] =	vst v1;
	v1 =	vld [tilespmem:s26+$0x8580]  }
0xac: {  	[tilespmem:$0x1FDB0] =	vst v11;
	v11 =	vld [tilespmem:s26+$0x84E0]  }
0xad: {  	[tilespmem:$0x1FDF0] =	vst v4;
	v4 =	vld [tilespmem:s26+$0x540]  }
0xae: {  	v32 =	vmul.f32 v33, v32;
	v33 =	vld [tilespmem:s26+$0x8540]  }
0xaf: {  	v42 =	vmul.f32 v43, v42;
	v43 =	vld [tilespmem:s26+$0x4A0]  }
0xb0: {  	v22 =	vmul.f32 v23, v22;
	v23 =	vld [tilespmem:s26+$0x84A0]  }
0xb1: {  	v48 =	vmul.f32 v49, v48;
	v46 =	vmul.f32 v47, v46;
	v47 =	vld [tilespmem:s26+$0x8490]  }
0xb2: {  	v26 =	vmul.f32 v27, v26;
	v27 =	vadd.f32 $0.0e+00, v32;
	v32 =	vld [tilespmem:s26+$0x8430]  }
0xb3: {  	v49 =	vadd.f32 $0.0e+00, v48;
	v48 =	vld [tilespmem:s26+$0x480]  }
0xb4: {  	v26 =	vadd.f32 v26, v27;
	v27 =	vmul.f32 v37, v36;
	v37 =	vld [tilespmem:s26+$0x4D0]  }
0xb5: {  	v36 =	vadd.f32 $0.0e+00, v42;
	v11 =	vmul.f32 v11, v12;
	v12 =	vld [tilespmem:s26+$0x460]  }
0xb6: {  	v22 =	vadd.f32 v22, v26;
	v26 =	vld [tilespmem:s26+$0x84D0]  }
0xb7: {  	v20 =	vmul.f32 v21, v20;
	v21 =	vadd.f32 v27, v36;
	v27 =	vmul.f32 v31, v30;
	v30 =	vld [tilespmem:s26+$0x500]  }
0xb8: {  	v31 =	vmul.f32 v41, v40;
	v40 =	vld [tilespmem:s26+$0x8500]  }
0xb9: {  	v41 =	vmul.f32 v53, v52;
	v52 =	vmul.f32 v63, v62;
	v63 =	vld [tilespmem:s26+$0x470]  }
0xba: {  	v62 =	vmul.f32 v15, v16;
	v15 =	vld [tilespmem:s26+$0x8520]  }
0xbb: {  	v21 =	vadd.f32 v27, v21;
	v27 =	vld [tilespmem:s26+$0x420]  }
0xbc: {  	v24 =	vmul.f32 v25, v24;
	v25 =	vadd.f32 v31, v49;
	v31 =	vmul.f32 v35, v34;
	v34 =	vld [tilespmem:s26+$0x8420]  }
0xbd: {  	v49 =	vld [tilespmem:s26+$0x8480]  }
0xbe: {  	v20 =	vadd.f32 v20, v22;
	v22 =	vmul.f32 v59, v58;
	v58 =	vld [tilespmem:s26+$0x440]  }
0xbf: {  	v59 =	vld [tilespmem:s26+$0x8440]  }
0xc0: {  	v35 =	vld [tilespmem:s26+$0x8470]  }
0xc1: {  	v4 =	vmul.f32 v33, v4;
	v42 =	vadd.f32 $0.0e+00, v22;
	v22 =	vld [tilespmem:s26+$0x490]  }
0xc2: {  	v21 =	vadd.f32 v24, v21;
	v24 =	vadd.f32 v31, v25;
	v25 =	vmul.f32 v29, v28;
	v28 =	vld [tilespmem:s26+$0x4C0]  }
0xc3: {  	v7 =	vmul.f32 v7, v8;
	v4 =	vadd.f32 $0.0e+00, v4;
	v31 =	vld [tilespmem:s26+$0x84C0]  }
0xc4: {  	v0 =	vmul.f32 v0, v3;
	v29 =	vmul.f32 v57, v56;
	v56 =	vld [tilespmem:s26+$0x8410]  }
0xc5: {  	v53 =	vmul.f32 v9, v10;
	v4 =	vadd.f32 v7, v4;
	v57 =	vmul.f32 v55, v54;
	v54 =	vld [tilespmem:$0x1FDD0]  }
0xc6: {  	v0 =	vadd.f32 $0.0e+00, v0;
	v55 =	vld [tilespmem:s26+$0x86A0]  }
0xc7: {  	v4 =	vadd.f32 v53, v4;
	v53 =	vld [tilespmem:$0x1FDC0]  }
0xc8: {  	v0 =	vadd.f32 v29, v0;
	v29 =	vmul.f32 v51, v50;
	v50 =	vld [tilespmem:s26+$0x410]  }
0xc9: {  	v51 =	vld [tilespmem:s26+$0x8400]  }
0xca: {  	v24 =	vadd.f32 v25, v24;
	v25 =	vmul.f32 v39, v38;
	v38 =	vld [tilespmem:s26+$0x530]  }
0xcb: {  	v3 =	vadd.f32 v41, v42;
	v41 =	vld [tilespmem:s26+$0x8530]  }
0xcc: {  	v42 =	vmul.f32 v32, v17;
	v32 =	vld [tilespmem:$0x1FE10]  }
0xcd: {  	v17 =	vld [tilespmem:$0x1FEA0]  }
0xce: {  	v5 =	vmul.f32 v5, v6;
	v6 =	vmul.f32 v49, v48;
	v49 =	vld [tilespmem:$0x1FDB0]  }
0xcf: {  	v1 =	vmul.f32 v1, v2;
	v7 =	vmul.f32 v59, v58;
	v58 =	vld [tilespmem:$0x1FDE0];
	v3 =	vadd.f32 v46, v3  }
0xd0: {  	v59 =	vld [tilespmem:$0x1FDF0]  }
0xd1: {  	v33 =	vmul.f32 v13, v14;
	v1 =	vadd.f32 $0.0e+00, v1;
	v3 =	vadd.f32 v25, v3;
	v25 =	vld [tilespmem:s26+$0x400]  }
0xd2: {  	v13 =	vmul.f32 v34, v27;
	v34 =	vld [tilespmem:$0x1FE40];
	v0 =	vadd.f32 v29, v0;
	v29 =	vmul.f32 v45, v44  }
0xd3: {  	v1 =	vadd.f32 v5, v1;
	v26 =	vmul.f32 v26, v37;
	v28 =	vmul.f32 v31, v28;
	v31 =	vld [tilespmem:s26+$0x450]  }
0xd4: {  	v6 =	vadd.f32 $0.0e+00, v6;
	v2 =	vmul.f32 v47, v22;
	v22 =	vld [tilespmem:s26+$0x8450];
	v0 =	vadd.f32 v29, v0  }
0xd5: {  	v29 =	vmul.f32 v61, v60;
	v61 =	vmul.f32 v23, v43;
	v23 =	vld [tilespmem:s26+$0x8460];
	v28 =	vadd.f32 $0.0e+00, v28  }
0xd6: {  	(xrf2) =	vadd.scan.msk.f32 $0xffff, v20;
	v1 =	vadd.f32 v52, v1;
	v45 =	vld [tilespmem:$0x1FD90];
	v8 =	vmul.f32 v51, v25  }
0xd7: {  	v37 =	vmul.f32 v40, v30;
	(xrf2) =	vadd.scan.msk.f32 $0xffff, v21;
	v46 =	vld [tilespmem:$0x1FDA0];
	v2 =	vadd.f32 v2, v6;
	v60 =	vadd.f32 v26, v28  }
0xd8: {  	(xrf2) =	vadd.scan.msk.f32 $0xffff, v24;
	v7 =	vadd.f32 $0.0e+00, v7;
	v47 =	vld [tilespmem:s26+$0x5F0];
	v9 =	vmul.f32 v56, v50;
	v8 =	vadd.f32 $0.0e+00, v8  }
0xd9: {  	v50 =	vld [tilespmem:s26+$0x85F0];
	(xrf2) =	vadd.scan.msk.f32 $0xffff, v3;
	v3 =	vmul.f32 v15, v49;
	v2 =	vadd.f32 v61, v2;
	v5 =	vadd.f32 v11, v60  }
0xda: {  	v15 =	vld [tilespmem:$0x1FE70];
	v14 =	vmul.f32 v22, v31;
	v40 =	vmul.f32 v23, v12;
	v8 =	vadd.f32 v9, v8  }
0xdb: {  	v61 =	vld [tilespmem:$0x1FE00];
	v12 =	vmul.f32 v18, v19;
	v36 =	vadd.f32 v62, v5;
	v5 =	vadd.f32 $0.0e+00, v37  }
0xdc: {  	v1 =	vadd.f32 v57, v1;
	v39 =	vadd.f32 v13, v8;
	v13 =	vld [tilespmem:s26+$0x85E0]  }
0xdd: {  	v7 =	vadd.f32 v14, v7;
	v48 =	vadd.f32 v12, v5;
	v12 =	vld [tilespmem:$0x1FE20];
	v8 =	vmul.f32 v46, v45  }
0xde: {  	v44 =	vmul.f32 v35, v63;
	v4 =	vadd.f32 v29, v4;
	v2 =	vadd.f32 v33, v2;
	v33 =	vld [tilespmem:$0x1FE30]  }
0xdf: {  	(xrf2) =	vadd.scan.msk.f32 $0xffff, v0;
	v60 =	vld [tilespmem:s26+$0x6B0];
	v43 =	vadd.f32 v40, v7;
	v7 =	vmul.f32 v54, v53;
	v52 =	vadd.f32 $0.0e+00, v8  }
0xe0: {  	(xrf2) =	vadd.scan.msk.f32 $0xffff, v1;
	v40 =	vld [tilespmem:$0x1FE60];
	v56 =	vadd.f32 v3, v48;
	v3 =	vmul.f32 v59, v58  }
0xe1: {  	(xrf2) =	vadd.scan.msk.f32 $0xffff, v4;
	v51 =	vadd.f32 v44, v43;
	v44 =	vld [tilespmem:$0x1FE80];
	v4 =	vadd.f32 v7, v52;
	v7 =	vmul.f32 v13, v61  }
0xe2: {  	v63 =	vadd.f32 $0.0e+00, v3;
	v3 =	vmul.f32 v12, v32;
	v12 =	vld [tilespmem:s26+$0x8760]  }
0xe3: {  	v18 =	vld [tilespmem:$0x1FEC0];
	(xrf2) =	vadd.scan.msk.f32 $0xffff, v36;
	v0 =	vadd.f32 v42, v39;
	v4 =	vadd.f32 v7, v4;
	v7 =	vmul.f32 v34, v33  }
0xe4: {  	v57 =	vmul.f32 v41, v38;
	v36 =	vld [tilespmem:$0x1FE50];
	(xrf2) =	vadd.scan.msk.f32 $0xffff, v2  }
0xe5: {  	v62 =	vld [tilespmem:s26+$0x86B0];
	v5 =	vmul.f32 v50, v47;
	(xrf2) =	vadd.scan.msk.f32 $0xffff, v0;
	v39 =	vadd.f32 $0.0e+00, v7;
	v7 =	vmul.f32 v15, v40  }
0xe6: {  	v10, _, _ =	vpop (xrf2);
	v46 =	vld [tilespmem:$0x1FEB0];
	v0 =	vadd.f32 v57, v56;
	(xrf2) =	vadd.scan.msk.f32 $0xffff, v51  }
0xe7: {  	v2, _, _ =	vpop (xrf2);
	v4 =	vadd.f32 v5, v4;
	v5 =	vadd.f32 v7, v39;
	v7 =	vmul.f32 v12, v44;
	v12 =	vld [tilespmem:$0x1FE90]  }
0xe8: {  	v35 =	vld [tilespmem:s26+$0x770];
	v13, _, _ =	vpop (xrf2)  }
0xe9: {  	v37 =	vld [tilespmem:s26+$0x8770];
	v1 =	vadd.f32 v3, v63;
	v3 =	vmul.f32 v55, v36;
	v14, _, _ =	vpop (xrf2);
	(xrf2) =	vadd.scan.msk.f32 $0xffff, v0  }
0xea: {  	v42 =	vld [tilespmem:s26+$0x87E0];
	v38, _, _ =	vpop (xrf2)  }
0xeb: {  	v41 =	vmul.f32 v62, v60;
	v1 =	vadd.f32 v3, v1;
	v16, _, _ =	vpop (xrf2);
	v15 =	vld [tilespmem:s26+$0x7E0]  }
0xec: {  	v3 =	vmul.f32 v18, v46;
	v18 =	vld [tilespmem:s26+$0x87F0];
	v43, _, _ =	vpop (xrf2);
	(xrf2) =	vadd.scan.msk.f32 $0xffff, v4;
	v12 =	vmul.f32 v17, v12  }
0xed: {  	v1 =	vadd.f32 v41, v1;
	v45, _, _ =	vpop (xrf2);
	v17 =	vld [tilespmem:s26+$0x7F0]  }
0xee: {  	v47 =	vmul.f32 v37, v35;
	v19, _, _ =	vpop (xrf2);
	v5 =	vadd.f32 v7, v5;
	v48 =	vadd.f32 $0.0e+00, v12  }
0xef: {  	(xrf2) =	vadd.scan.msk.f32 $0xffff, v1;
	v49, _, _ =	vpop (xrf2)  }
0xf0: {  	v51 =	vmul.f32 v42, v15;
	v50 =	vadd.f32 v47, v5;
	v52, _, _ =	vpop (xrf2);
	v3 =	vadd.f32 v3, v48  }
0xf1: {  	v53 =	vbroadcast v49, $0xF;
	v6 =	vbroadcast v52, $0xF  }
0xf2: {  	v54 =	vbroadcast v19, $0xF;
	(xrf2) =	vadd.scan.msk.f32 $0xffff, v50;
	v55 =	vmul.f32 v18, v17;
	v3 =	vadd.f32 v51, v3  }
0xf3: {  	v4 =	vbroadcast v45, $0xF;
	v57, _, _ =	vpop (xrf2);
	v56 =	vsel vm0, v53, v6  }
0xf4: {  	v6 =	vbroadcast v57, $0xF;
	v1 =	vsel vm1, v56, v54;
	v3 =	vadd.f32 v55, v3  }
0xf5: {  	v58 =	vbroadcast v43, $0xF;
	v1 =	vsel vm2, v1, v4  }
0xf6: {  	v59 =	vbroadcast v16, $0xF;
	v1 =	vsel vm3, v1, v6;
	v60, _, _ =	vpop (xrf2);
	(xrf2) =	vadd.scan.msk.f32 $0xffff, v3  }
0xf7: {  	v1 =	vsel vm4, v1, v58;
	v61 =	vbroadcast v60, $0xF  }
0xf8: {  	v0 =	vbroadcast v38, $0xF;
	v1 =	vsel vm5, v1, v59  }
0xf9: {  	v62 =	vbroadcast v14, $0xF;
	v63, _, _ =	vpop (xrf2);
	v1 =	vsel vm6, v1, v61  }
0xfa: {  	v6 =	vbroadcast v63, $0xF;
	v0 =	vsel vm7, v1, v0  }
0xfb: {  	v7 =	vbroadcast v13, $0xF;
	v0 =	vsel vm8, v0, v62  }
0xfc: {  	v8 =	vbroadcast v2, $0xF;
	v0 =	vsel vm9, v0, v6;
	v9, _, _ =	vpop (xrf2)  }
0xfd: {  	v0 =	vsel vm10, v0, v7;
	v2 =	vbroadcast v9, $0xF  }
0xfe: {  	v11 =	vbroadcast v10, $0xF;
	v0 =	vsel vm11, v0, v8  }
0xff: {  	v0 =	vsel vm12, v0, v2  }
0x100: {  	v0 =	vsel vm13, v0, v11;
	v32, _, _ =	vpop (xrf2)  }
0x101: {  	v0 =	vsel vm14, v0, v32  }
0x102: {  	s24 =	simm.s32 $0x400;
	[tilespmem:s2+$0x0] =	vst v0  }
0x103: {  	v22 =	vld [tilespmem:s24+$0x7B0]  }
0x104: {  	v53 =	vld [tilespmem:s24+$0x87B0]  }
0x105: {  	v17 =	vld [tilespmem:s24+$0x7D0]  }
0x106: {  	v0 =	vld [tilespmem:s24+$0x87D0]  }
0x107: {  	v3 =	vld [tilespmem:s24+$0x7A0]  }
0x108: {  	v29 =	vld [tilespmem:s24+$0x87A0]  }
0x109: {  	v33 =	vld [tilespmem:s24+$0x7C0]  }
0x10a: {  	v34 =	vld [tilespmem:s24+$0x87C0]  }
0x10b: {  	v21 =	vld [tilespmem:s24+$0x730]  }
0x10c: {  	v24 =	vld [tilespmem:s24+$0x8730]  }
0x10d: {  	v35 =	vld [tilespmem:s24+$0x760]  }
0x10e: {  	v27 =	vld [tilespmem:s24+$0x790]  }
0x10f: {  	v8 =	vld [tilespmem:s24+$0x6F0]  }
0x110: {  	v10 =	vld [tilespmem:s24+$0x86F0]  }
0x111: {  	v52 =	vld [tilespmem:s24+$0x720]  }
0x112: {  	v37 =	vld [tilespmem:s24+$0x8720]  }
0x113: {  	v36 =	vld [tilespmem:s24+$0x750]  }
0x114: {  	v38 =	vld [tilespmem:s24+$0x8750]  }
0x115: {  	v23 =	vld [tilespmem:s24+$0x780]  }
0x116: {  	v39 =	vld [tilespmem:s24+$0x6E0]  }
0x117: {  	v61 =	vld [tilespmem:s24+$0x86E0]  }
0x118: {  	v43 =	vld [tilespmem:s24+$0x710]  }
0x119: {  	v44 =	vld [tilespmem:s24+$0x8710]  }
0x11a: {  	v40 =	vld [tilespmem:s24+$0x740]  }
0x11b: {  	v41 =	vld [tilespmem:s24+$0x8740]  }
0x11c: {  	v6 =	vld [tilespmem:s24+$0x670]  }
0x11d: {  	v7 =	vld [tilespmem:s24+$0x8670]  }
0x11e: {  	v42 =	vld [tilespmem:s24+$0x6A0]  }
0x11f: {  	v32 =	vld [tilespmem:s24+$0x6D0]  }
0x120: {  	v48 =	vld [tilespmem:s24+$0x86D0]  }
0x121: {  	v49 =	vld [tilespmem:s24+$0x700]  }
0x122: {  	v50 =	vld [tilespmem:s24+$0x8700]  }
0x123: {  	v9 =	vld [tilespmem:s24+$0x630]  }
0x124: {  	v11 =	vld [tilespmem:s24+$0x8630]  }
0x125: {  	v45 =	vld [tilespmem:s24+$0x660]  }
0x126: {  	v62 =	vld [tilespmem:s24+$0x8660]  }
0x127: {  	v46 =	vld [tilespmem:s24+$0x690]  }
0x128: {  	v47 =	vld [tilespmem:s24+$0x8690]  }
0x129: {  	v55 =	vld [tilespmem:s24+$0x6C0]  }
0x12a: {  	v56 =	vld [tilespmem:s24+$0x86C0]  }
0x12b: {  	v51 =	vld [tilespmem:s24+$0x620]  }
0x12c: {  	v58 =	vld [tilespmem:s24+$0x8620]  }
0x12d: {  	v59 =	vld [tilespmem:s24+$0x650]  }
0x12e: {  	v60 =	vld [tilespmem:s24+$0x8650]  }
0x12f: {  	v54 =	vld [tilespmem:s24+$0x680]  }
0x130: {  	v57 =	vld [tilespmem:s24+$0x8680]  }
0x131: {  	v12 =	vld [tilespmem:s24+$0x5B0]  }
0x132: {  	v13 =	vld [tilespmem:s24+$0x85B0]  }
0x133: {  	v63 =	vld [tilespmem:s24+$0x5E0]  }
0x134: {  	v4 =	vld [tilespmem:s24+$0x570]  }
0x135: {  	v5 =	vld [tilespmem:s24+$0x8570]  }
0x136: {  	v2 =	vld [tilespmem:s24+$0x85A0]  }
0x137: {  	v15 =	vld [tilespmem:s24+$0x5D0]  }
0x138: {  	v16 =	vld [tilespmem:s24+$0x85D0]  }
0x139: {  	v1 =	vld [tilespmem:s24+$0x600]  }
0x13a: {  	v14 =	vld [tilespmem:s24+$0x560]  }
0x13b: {  	v18 =	vld [tilespmem:s24+$0x5C0]  }
0x13c: {  	v19 =	vld [tilespmem:s24+$0x85C0]  }
0x13d: {  	v26 =	vld [tilespmem:s24+$0x84F0]  }
0x13e: {  	v20 =	vld [tilespmem:s24+$0x520]  }
0x13f: {  	v25 =	vld [tilespmem:s24+$0x4B0]  }
0x140: {  	v28 =	vld [tilespmem:s24+$0x84B0]  }
0x141: {  	v30 =	vld [tilespmem:s24+$0x4E0]  }
0x142: {  	v31 =	vld [tilespmem:s24+$0x84E0]  }
0x143: {  	[tilespmem:$0x1FEF0] =	vst v34;
	v34 =	vld [tilespmem:s24+$0x8790]  }
0x144: {  	[tilespmem:$0x1FF00] =	vst v35;
	v35 =	vld [tilespmem:s24+$0x8780]  }
0x145: {  	[tilespmem:$0x1FFA0] =	vst v63;
	v63 =	vld [tilespmem:s24+$0x610]  }
0x146: {  	[tilespmem:$0x1FF60] =	vst v46;
	v46 =	vld [tilespmem:s24+$0x8610]  }
0x147: {  	[tilespmem:$0x1FF10] =	vst v36;
	v36 =	vld [tilespmem:s24+$0x640]  }
0x148: {  	[tilespmem:$0x1FEE0] =	vst v33;
	v33 =	vld [tilespmem:s24+$0x8640]  }
0x149: {  	[tilespmem:$0x1FF90] =	vst v57;
	v57 =	vld [tilespmem:s24+$0x5A0]  }
0x14a: {  	[tilespmem:$0x1FED0] =	vst v0;
	v0 =	vld [tilespmem:s24+$0x8600]  }
0x14b: {  	[tilespmem:$0x1FFE0] =	vst v14;
	v14 =	vld [tilespmem:s24+$0x8560]  }
0x14c: {  	[tilespmem:$0x1FFC0] =	vst v45;
	v45 =	vld [tilespmem:s24+$0x590]  }
0x14d: {  	[tilespmem:$0x1FF50] =	vst v42;
	v42 =	vld [tilespmem:s24+$0x8590]  }
0x14e: {  	[tilespmem:$0x1FF80] =	vst v54;
	v54 =	vld [tilespmem:s24+$0x4F0]  }
0x14f: {  	[tilespmem:$0x1FFD0] =	vst v51;
	v51 =	vld [tilespmem:s24+$0x550]  }
0x150: {  	[tilespmem:$0x1FF70] =	vst v47;
	v47 =	vld [tilespmem:s24+$0x8550]  }
0x151: {  	[tilespmem:$0x1FF30] =	vst v40;
	v40 =	vld [tilespmem:s24+$0x580]  }
0x152: {  	[tilespmem:$0x1FF20] =	vst v38;
	v38 =	vld [tilespmem:s24+$0x8580]  }
0x153: {  	[tilespmem:$0x1FF40] =	vst v41;
	v41 =	vld [tilespmem:s24+$0x540]  }
0x154: {  	[tilespmem:$0x1FFB0] =	vst v39;
	v39 =	vld [tilespmem:s24+$0x8540];
	v49 =	vmul.f32 v50, v49  }
0x155: {  	v3 =	vmul.f32 v29, v3;
	v29 =	vld [tilespmem:s24+$0x8430];
	v43 =	vmul.f32 v44, v43  }
0x156: {  	v55 =	vmul.f32 v56, v55;
	v37 =	vmul.f32 v37, v52;
	v52 =	vld [tilespmem:s24+$0x84D0]  }
0x157: {  	v56 =	vmul.f32 v53, v22;
	v48 =	vmul.f32 v48, v32;
	v32 =	vld [tilespmem:s24+$0x500];
	v44 =	vadd.f32 $0.0e+00, v49  }
0x158: {  	v53 =	vmul.f32 v24, v21;
	v21 =	vld [tilespmem:$0x1FFB0];
	v49 =	vadd.f32 $0.0e+00, v55;
	v35 =	vmul.f32 v35, v23  }
0x159: {  	v43 =	vadd.f32 v43, v44;
	v44 =	vld [tilespmem:s24+$0x4D0]  }
0x15a: {  	v48 =	vadd.f32 v48, v49;
	v49 =	vld [tilespmem:$0x1FFC0];
	v34 =	vmul.f32 v34, v27;
	v35 =	vadd.f32 $0.0e+00, v35  }
0x15b: {  	[tilespmem:$0x1FFF0] =	vst v14;
	v14 =	vld [tilespmem:s24+$0x510]  }
0x15c: {  	v23 =	vld [tilespmem:s24+$0x8510];
	v35 =	vadd.f32 v34, v35  }
0x15d: {  	v27 =	vld [tilespmem:s24+$0x430]  }
0x15e: {  	v60 =	vmul.f32 v60, v59;
	v55 =	vmul.f32 v33, v36;
	v33 =	vld [tilespmem:s24+$0x8500];
	v50 =	vadd.f32 v3, v35  }
0x15f: {  	v8 =	vmul.f32 v10, v8;
	v36 =	vld [tilespmem:s24+$0x420];
	v10 =	vmul.f32 v46, v63  }
0x160: {  	v46 =	vld [tilespmem:s24+$0x490];
	v50 =	vadd.f32 v56, v50;
	v56 =	vmul.f32 v61, v21;
	v61 =	vadd.f32 $0.0e+00, v55  }
0x161: {  	v63 =	vld [tilespmem:s24+$0x84C0]  }
0x162: {  	v0 =	vmul.f32 v0, v1;
	v37 =	vadd.f32 v37, v43;
	v1 =	vadd.f32 v60, v61;
	v61 =	vld [tilespmem:$0x1FFD0]  }
0x163: {  	v55 =	vld [tilespmem:s24+$0x4C0]  }
0x164: {  	v42 =	vmul.f32 v42, v45;
	v45 =	vld [tilespmem:s24+$0x480];
	v41 =	vmul.f32 v39, v41;
	v43 =	vadd.f32 v53, v37  }
0x165: {  	v39 =	vld [tilespmem:s24+$0x8490];
	v0 =	vadd.f32 $0.0e+00, v0;
	(xrf2) =	vadd.scan.msk.f32 $0xffff, v50  }
0x166: {  	v38 =	vmul.f32 v38, v40;
	v2 =	vmul.f32 v2, v57;
	v57 =	vadd.f32 $0.0e+00, v41;
	v41 =	vld [tilespmem:s24+$0x8400];
	(xrf2) =	vadd.scan.msk.f32 $0xffff, v43  }
0x167: {  	v37 =	vld [tilespmem:s24+$0x8420];
	v53 =	vmul.f32 v62, v49;
	v0 =	vadd.f32 v10, v0;
	v62 =	vmul.f32 v58, v61  }
0x168: {  	v38 =	vadd.f32 $0.0e+00, v38;
	v61 =	vmul.f32 v63, v55;
	v63 =	vld [tilespmem:$0x1FFF0]  }
0x169: {  	v48 =	vadd.f32 v56, v48;
	v0 =	vadd.f32 v62, v0;
	v62 =	vld [tilespmem:$0x1FFE0]  }
0x16a: {  	v47 =	vmul.f32 v47, v51;
	v10 =	vld [tilespmem:s24+$0x8480];
	v42 =	vadd.f32 v42, v38  }
0x16b: {  	v34 =	vld [tilespmem:s24+$0x4A0];
	v48 =	vadd.f32 v8, v48;
	v1 =	vadd.f32 v53, v1;
	v8 =	vmul.f32 v7, v6  }
0x16c: {  	v38 =	vld [tilespmem:s24+$0x410];
	v49 =	vadd.f32 v47, v57;
	v56 =	vmul.f32 v11, v9  }
0x16d: {  	v47 =	vld [tilespmem:s24+$0x400];
	v59 =	vadd.f32 v2, v42;
	v60 =	vmul.f32 v13, v12;
	v1 =	vadd.f32 v8, v1  }
0x16e: {  	v35 =	vld [tilespmem:s24+$0x84A0];
	(xrf2) =	vadd.scan.msk.f32 $0xffff, v48;
	v58 =	vadd.f32 v56, v0;
	v3 =	vmul.f32 v63, v62  }
0x16f: {  	v50 =	vmul.f32 v10, v45;
	v45 =	vld [tilespmem:s24+$0x440];
	v40 =	vadd.f32 v60, v59;
	v48 =	vmul.f32 v52, v44;
	(xrf2) =	vadd.scan.msk.f32 $0xffff, v1;
	v52, _, _ =	vpop (xrf2)  }
0x170: {  	s25 =	simm.s32 $0x10400;
	s26 =	simm.s32 $0x2000;
	v42 =	vmul.f32 v5, v4;
	v44 =	vld [tilespmem:s24+$0x8410];
	v51 =	vadd.f32 $0.0e+00, v61;
	(xrf2) =	vadd.scan.msk.f32 $0xffff, v58;
	v21, _, _ =	vpop (xrf2);
	v49 =	vadd.f32 v3, v49  }
.LBB2_2:
0x171: {  	v43 =	vld [tilespmem:s24+$0x8440]  }
0x172: {  	v55 =	vld [tilespmem:s24+$0x450]  }
0x173: {  	v56 =	vld [tilespmem:s24+$0x8450]  }
0x174: {  	v58 =	vld [tilespmem:s24+$0x8460]  }
0x175: {  	v60 =	vld [tilespmem:s24+$0x470]  }
0x176: {  	v62 =	vld [tilespmem:s24+$0x8470]  }
0x177: {  	v4 =	vld [tilespmem:s24+$0x8520]  }
0x178: {  	v6 =	vld [tilespmem:s24+$0x530]  }
0x179: {  	v7 =	vld [tilespmem:s24+$0x8530]  }
0x17a: {  	v15 =	vmul.f32 v16, v15;
	v16 =	vld [tilespmem:s24+$0x86A0]  }
0x17b: {  	v9 =	vld [tilespmem:$0x1FF80]  }
0x17c: {  	v10 =	vld [tilespmem:$0x1FF90]  }
0x17d: {  	v13 =	vld [tilespmem:s24+$0x6B0]  }
0x17e: {  	v11 =	vld [tilespmem:$0x1FFA0];
	v31 =	vmul.f32 v31, v30  }
0x17f: {  	v48 =	vadd.f32 v48, v51;
	(xrf2) =	vadd.scan.msk.f32 $0xffff, v40;
	v40 =	vld [tilespmem:$0x1FF20];
	v39 =	vmul.f32 v39, v46;
	v41 =	vmul.f32 v41, v47  }
0x180: {  	v50 =	vadd.f32 $0.0e+00, v50;
	v0 =	vmul.f32 v26, v54;
	v26 =	vld [tilespmem:s24+$0x460];
	v34 =	vmul.f32 v35, v34  }
0x181: {  	v42 =	vadd.f32 v42, v49;
	v1 =	vmul.f32 v44, v38;
	v22 =	vmul.f32 v23, v14;
	v23 =	vld [tilespmem:s24+$0x85E0]  }
0x182: {  	v27 =	vmul.f32 v29, v27;
	v18 =	vmul.f32 v19, v18;
	v19 =	vld [tilespmem:s24+$0x5F0];
	v31 =	vadd.f32 v31, v48  }
0x183: {  	v29 =	vmul.f32 v33, v32;
	v32 =	vld [tilespmem:$0x1FF60];
	v39 =	vadd.f32 v39, v50;
	v57 =	vadd.f32 $0.0e+00, v41  }
0x184: {  	v25 =	vmul.f32 v28, v25;
	v33 =	vld [tilespmem:$0x1FF70];
	v30, _, _ =	vpop (xrf2);
	(xrf2) =	vadd.scan.msk.f32 $0xffff, v42;
	v59 =	vmul.f32 v43, v45;
	v31 =	vadd.f32 v0, v31  }
0x185: {  	v61 =	vmul.f32 v37, v36;
	v35 =	vld [tilespmem:$0x1FF30];
	v34 =	vadd.f32 v34, v39;
	v28 =	vadd.f32 v1, v57  }
0x186: {  	v36 =	vld [tilespmem:$0x1FF40];
	v63 =	vmul.f32 v56, v55;
	v24, _, _ =	vpop (xrf2);
	(xrf2) =	vadd.scan.msk.f32 $0xffff, v31;
	v31 =	vadd.f32 $0.0e+00, v59  }
0x187: {  	v37 =	vld [tilespmem:$0x1FF50];
	v25 =	vadd.f32 v25, v34;
	v5 =	vadd.f32 v61, v28  }
0x188: {  	v44 =	vld [tilespmem:$0x1FEF0];
	v26 =	vmul.f32 v58, v26;
	v31 =	vadd.f32 v63, v31  }
0x189: {  	v47 =	vld [tilespmem:$0x1FED0];
	v38, _, _ =	vpop (xrf2);
	(xrf2) =	vadd.scan.msk.f32 $0xffff, v25;
	v25 =	vadd.f32 v27, v5;
	v27 =	vadd.f32 $0.0e+00, v29  }
0x18a: {  	v42 =	vld [tilespmem:$0x1FF00];
	v29 =	vmul.f32 v62, v60;
	v8 =	vadd.f32 v26, v31  }
0x18b: {  	v20 =	vmul.f32 v4, v20;
	v12 =	vmul.f32 v10, v9;
	v22 =	vadd.f32 v22, v27;
	v27 =	vld [tilespmem:s24+$0x85F0]  }
0x18c: {  	v43 =	vld [tilespmem:$0x1FEE0];
	v18 =	vadd.f32 $0.0e+00, v18;
	v28, _, _ =	vpop (xrf2);
	(xrf2) =	vadd.scan.msk.f32 $0xffff, v25;
	v25 =	vadd.f32 v29, v8  }
0x18d: {  	v2 =	vmul.f32 v7, v6;
	v12 =	vadd.f32 $0.0e+00, v12;
	v39 =	vld [tilespmem:$0x1FF10];
	v20 =	vadd.f32 v20, v22  }
0x18e: {  	v15 =	vadd.f32 v15, v18;
	v18 =	vld [tilespmem:s24+$0x86B0];
	v14 =	vmul.f32 v23, v11;
	v10 =	vmul.f32 v33, v32;
	v26, _, _ =	vpop (xrf2);
	(xrf2) =	vadd.scan.msk.f32 $0xffff, v25  }
0x18f: {  	v11 =	vld [tilespmem:s24+$0x8760];
	v7 =	vmul.f32 v36, v35;
	v20 =	vadd.f32 v2, v20  }
0x190: {  	v14 =	vadd.f32 v14, v15;
	v10 =	vadd.f32 v10, v12;
	v12 =	vld [tilespmem:s24+$0x8770];
	v34 =	vmul.f32 v27, v19  }
0x191: {  	v9 =	vmul.f32 v16, v37;
	v8 =	vld [tilespmem:s24+$0x770];
	v22, _, _ =	vpop (xrf2);
	(xrf2) =	vadd.scan.msk.f32 $0xffff, v20  }
0x192: {  	v6 =	vld [tilespmem:s24+$0x7E0];
	v7 =	vadd.f32 $0.0e+00, v7;
	v5 =	vmul.f32 v40, v39;
	v14 =	vadd.f32 v34, v14  }
0x193: {  	v16 =	vadd.f32 v9, v10;
	v41 =	vmul.f32 v18, v13;
	v13 =	vld [tilespmem:s24+$0x87E0]  }
0x194: {  	v3 =	vld [tilespmem:s24+$0x7F0];
	v45 =	vmul.f32 v44, v43;
	v4 =	vmul.f32 v11, v42;
	v5 =	vadd.f32 v5, v7;
	v15, _, _ =	vpop (xrf2);
	(xrf2) =	vadd.scan.msk.f32 $0xffff, v14  }
0x195: {  	v48 =	vld [tilespmem:s24+$0x87F0];
	v0 =	vmul.f32 v47, v17;
	v46 =	vadd.f32 v41, v16  }
0x196: {  	v4 =	vadd.f32 v4, v5;
	v2 =	vadd.f32 $0.0e+00, v45;
	v8 =	vmul.f32 v12, v8  }
0x197: {  	v49, _, _ =	vpop (xrf2);
	(xrf2) =	vadd.scan.msk.f32 $0xffff, v46  }
0x198: {  	v50 =	vmul.f32 v13, v6;
	v0 =	vadd.f32 v0, v2;
	v8 =	vadd.f32 v8, v4;
	v51, _, _ =	vpop (xrf2)  }
0x199: {  	v53 =	vbroadcast v49, $0xF;
	v5 =	vbroadcast v51, $0xF  }
0x19a: {  	v1 =	vmul.f32 v48, v3;
	v0 =	vadd.f32 v50, v0;
	v54 =	vbroadcast v15, $0xF;
	(xrf2) =	vadd.scan.msk.f32 $0xffff, v8  }
0x19b: {  	v56 =	vbroadcast v22, $0xF;
	v57, _, _ =	vpop (xrf2);
	v55 =	vsel vm0, v53, v5  }
0x19c: {  	v0 =	vadd.f32 v1, v0;
	v58 =	vbroadcast v57, $0xF;
	v2 =	vsel vm1, v55, v54  }
0x19d: {  	v60 =	vbroadcast v26, $0xF;
	v59 =	vsel vm2, v2, v56  }
0x19e: {  	v61 =	vbroadcast v28, $0xF;
	v62, _, _ =	vpop (xrf2);
	(xrf2) =	vadd.scan.msk.f32 $0xffff, v0;
	v1 =	vsel vm3, v59, v58  }
0x19f: {  	v6 =	vbroadcast v62, $0xF;
	v63 =	vsel vm4, v1, v60  }
0x1a0: {  	v7 =	vbroadcast v38, $0xF;
	v0 =	vsel vm5, v63, v61  }
0x1a1: {  	v8 =	vbroadcast v24, $0xF;
	v9, _, _ =	vpop (xrf2);
	v0 =	vsel vm6, v0, v6  }
0x1a2: {  	v10 =	vbroadcast v9, $0xF;
	v0 =	vsel vm7, v0, v7  }
0x1a3: {  	v11 =	vbroadcast v30, $0xF;
	v0 =	vsel vm8, v0, v8  }
0x1a4: {  	v32 =	vbroadcast v21, $0xF;
	v33, _, _ =	vpop (xrf2);
	v0 =	vsel vm9, v0, v10  }
0x1a5: {  	v3 =	vbroadcast v33, $0xF;
	v0 =	vsel vm10, v0, v11  }
0x1a6: {  	v34 =	vbroadcast v52, $0xF;
	v0 =	vsel vm11, v0, v32  }
0x1a7: {  	v0 =	vsel vm12, v0, v3  }
0x1a8: {  	v35, _, _ =	vpop (xrf2);
	v0 =	vsel vm13, v0, v34  }
0x1a9: {  	s25 =	sadd.s32 $0x10, s25;
	v0 =	vsel vm14, v0, v35  }
0x1aa: {  	s24 =	sshra.s32 s26, $0x2;
	[tilespmem:s25+$0x0] =	vst v0  }
0x1ab: {  	v32 =	vld [tilespmem:s24+$0x7B0]  }
0x1ac: {  	v35 =	vld [tilespmem:s24+$0x87B0]  }
0x1ad: {  	v0 =	vld [tilespmem:s24+$0x7D0]  }
0x1ae: {  	v36 =	vld [tilespmem:s24+$0x87D0]  }
0x1af: {  	v29 =	vld [tilespmem:s24+$0x7A0]  }
0x1b0: {  	v34 =	vld [tilespmem:s24+$0x87A0]  }
0x1b1: {  	v37 =	vld [tilespmem:s24+$0x7C0]  }
0x1b2: {  	v38 =	vld [tilespmem:s24+$0x87C0]  }
0x1b3: {  	v33 =	vld [tilespmem:s24+$0x730]  }
0x1b4: {  	v39 =	vld [tilespmem:s24+$0x760]  }
0x1b5: {  	v27 =	vld [tilespmem:s24+$0x790]  }
0x1b6: {  	v52 =	vld [tilespmem:s24+$0x8790]  }
0x1b7: {  	v40 =	vld [tilespmem:s24+$0x6F0]  }
0x1b8: {  	v41 =	vld [tilespmem:s24+$0x86F0]  }
0x1b9: {  	v47 =	vld [tilespmem:s24+$0x720]  }
0x1ba: {  	v48 =	vld [tilespmem:s24+$0x8720]  }
0x1bb: {  	v42 =	vld [tilespmem:s24+$0x750]  }
0x1bc: {  	v43 =	vld [tilespmem:s24+$0x8750]  }
0x1bd: {  	v23 =	vld [tilespmem:s24+$0x780]  }
0x1be: {  	v62 =	vld [tilespmem:s24+$0x8780]  }
0x1bf: {  	v46 =	vld [tilespmem:s24+$0x86E0]  }
0x1c0: {  	v57 =	vld [tilespmem:s24+$0x710]  }
0x1c1: {  	v60 =	vld [tilespmem:s24+$0x8710]  }
0x1c2: {  	v44 =	vld [tilespmem:s24+$0x740]  }
0x1c3: {  	v45 =	vld [tilespmem:s24+$0x8740]  }
0x1c4: {  	v49 =	vld [tilespmem:s24+$0x6A0]  }
0x1c5: {  	v58 =	vld [tilespmem:s24+$0x6D0]  }
0x1c6: {  	v61 =	vld [tilespmem:s24+$0x86D0]  }
0x1c7: {  	v63 =	vld [tilespmem:s24+$0x700]  }
0x1c8: {  	v50 =	vld [tilespmem:s24+$0x630]  }
0x1c9: {  	v51 =	vld [tilespmem:s24+$0x8630]  }
0x1ca: {  	v53 =	vld [tilespmem:s24+$0x690]  }
0x1cb: {  	v54 =	vld [tilespmem:s24+$0x8690]  }
0x1cc: {  	v1 =	vld [tilespmem:s24+$0x6C0]  }
0x1cd: {  	v2 =	vld [tilespmem:s24+$0x86C0]  }
0x1ce: {  	v3 =	vld [tilespmem:s24+$0x650]  }
0x1cf: {  	v4 =	vld [tilespmem:s24+$0x8650]  }
0x1d0: {  	v55 =	vld [tilespmem:s24+$0x680]  }
0x1d1: {  	v56 =	vld [tilespmem:s24+$0x8680]  }
0x1d2: {  	v59 =	vld [tilespmem:s24+$0x5E0]  }
0x1d3: {  	v5 =	vld [tilespmem:s24+$0x610]  }
0x1d4: {  	v6 =	vld [tilespmem:s24+$0x8610]  }
0x1d5: {  	v7 =	vld [tilespmem:s24+$0x640]  }
0x1d6: {  	v8 =	vld [tilespmem:s24+$0x8640]  }
0x1d7: {  	v21 =	vld [tilespmem:s24+$0x5D0]  }
0x1d8: {  	v9 =	vld [tilespmem:s24+$0x600]  }
0x1d9: {  	v10 =	vld [tilespmem:s24+$0x8600]  }
0x1da: {  	v11 =	vld [tilespmem:s24+$0x590]  }
0x1db: {  	v12 =	vld [tilespmem:s24+$0x8590]  }
0x1dc: {  	v22 =	vld [tilespmem:s24+$0x5C0]  }
0x1dd: {  	v19 =	vld [tilespmem:s24+$0x85C0]  }
0x1de: {  	v26 =	vld [tilespmem:s24+$0x84F0]  }
0x1df: {  	v20 =	vld [tilespmem:s24+$0x520]  }
0x1e0: {  	v13 =	vld [tilespmem:s24+$0x550]  }
0x1e1: {  	v24 =	vld [tilespmem:s24+$0x8550]  }
0x1e2: {  	v15 =	vld [tilespmem:s24+$0x580]  }
0x1e3: {  	v16 =	vld [tilespmem:s24+$0x8580]  }
0x1e4: {  	v25 =	vld [tilespmem:s24+$0x4B0]  }
0x1e5: {  	v28 =	vld [tilespmem:s24+$0x84B0]  }
0x1e6: {  	v30 =	vld [tilespmem:s24+$0x4E0]  }
0x1e7: {  	v31 =	vld [tilespmem:s24+$0x84E0]  }
0x1e8: {  	v14 =	vld [tilespmem:s24+$0x510]  }
0x1e9: {  	v18 =	vld [tilespmem:s24+$0x540]  }
0x1ea: {  	v17 =	vld [tilespmem:s24+$0x8540]  }
0x1eb: {  	[tilespmem:$0x1FED0] =	vst v36;
	v36 =	vld [tilespmem:s24+$0x8730]  }
0x1ec: {  	[tilespmem:$0x1FEE0] =	vst v37;
	v37 =	vld [tilespmem:s24+$0x6E0]  }
0x1ed: {  	[tilespmem:$0x1FF00] =	vst v39;
	v39 =	vld [tilespmem:s24+$0x670]  }
0x1ee: {  	[tilespmem:$0x1FD50] =	vst v41;
	v41 =	vld [tilespmem:s24+$0x8670]  }
0x1ef: {  	[tilespmem:$0x1FD60] =	vst v0;
	v0 =	vld [tilespmem:s24+$0x8700]  }
0x1f0: {  	[tilespmem:$0x1FD80] =	vst v51;
	v51 =	vld [tilespmem:s24+$0x660]  }
0x1f1: {  	[tilespmem:$0x1FEF0] =	vst v38;
	v38 =	vld [tilespmem:s24+$0x8660]  }
0x1f2: {  	[tilespmem:$0x1FF50] =	vst v49;
	v49 =	vld [tilespmem:s24+$0x620]  }
0x1f3: {  	[tilespmem:$0x1FD70] =	vst v50;
	v50 =	vld [tilespmem:s24+$0x8620]  }
0x1f4: {  	[tilespmem:$0x1FF30] =	vst v44;
	v44 =	vld [tilespmem:s24+$0x5B0]  }
0x1f5: {  	[tilespmem:$0x1FF40] =	vst v45;
	v45 =	vld [tilespmem:s24+$0x85B0]  }
0x1f6: {  	[tilespmem:$0x1FF10] =	vst v42;
	v42 =	vld [tilespmem:s24+$0x570]  }
0x1f7: {  	[tilespmem:$0x1FF20] =	vst v43;
	v43 =	vld [tilespmem:s24+$0x8570]  }
0x1f8: {  	[tilespmem:$0x1FF90] =	vst v56;
	v56 =	vld [tilespmem:s24+$0x5A0]  }
0x1f9: {  	[tilespmem:$0x1FFA0] =	vst v59;
	v59 =	vld [tilespmem:s24+$0x85A0]  }
0x1fa: {  	[tilespmem:$0x1FF60] =	vst v53;
	v53 =	vld [tilespmem:s24+$0x85D0]  }
0x1fb: {  	[tilespmem:$0x1FD40] =	vst v40;
	v40 =	vld [tilespmem:s24+$0x560]  }
0x1fc: {  	[tilespmem:$0x1FF80] =	vst v55;
	v55 =	vld [tilespmem:s24+$0x8560]  }
0x1fd: {  	[tilespmem:$0x1FF70] =	vst v54;
	v54 =	vld [tilespmem:s24+$0x4F0]  }
0x1fe: {  	v62 =	vmul.f32 v62, v23;
	v23 =	vld [tilespmem:s24+$0x8510]  }
0x1ff: {  	v52 =	vmul.f32 v52, v27;
	v27 =	vld [tilespmem:s24+$0x430];
	v57 =	vmul.f32 v60, v57  }
0x200: {  	v1 =	vmul.f32 v2, v1;
	v32 =	vmul.f32 v35, v32;
	v35 =	vld [tilespmem:s24+$0x84A0];
	v62 =	vadd.f32 $0.0e+00, v62  }
0x201: {  	v47 =	vmul.f32 v48, v47;
	v48 =	vld [tilespmem:s24+$0x4D0];
	v60 =	vmul.f32 v61, v58  }
0x202: {  	v1 =	vadd.f32 $0.0e+00, v1;
	v52 =	vadd.f32 v52, v62;
	v62 =	vmul.f32 v34, v29;
	v29 =	vld [tilespmem:s24+$0x8430]  }
0x203: {  	v34 =	vld [tilespmem:s24+$0x4A0]  }
0x204: {  	v1 =	vadd.f32 v60, v1;
	v60 =	vmul.f32 v6, v5;
	v5 =	vld [tilespmem:s24+$0x4C0];
	v0 =	vmul.f32 v0, v63  }
0x205: {  	v61 =	vmul.f32 v36, v33;
	v33 =	vld [tilespmem:s24+$0x8500]  }
0x206: {  	v36 =	vld [tilespmem:s24+$0x420];
	v0 =	vadd.f32 $0.0e+00, v0  }
0x207: {  	v7 =	vmul.f32 v8, v7;
	v37 =	vmul.f32 v46, v37;
	v46 =	vld [tilespmem:$0x1FD40];
	v63 =	vadd.f32 v62, v52  }
0x208: {  	v52 =	vmul.f32 v38, v51;
	v51 =	vmul.f32 v17, v18;
	v17 =	vld [tilespmem:$0x1FD60];
	v0 =	vadd.f32 v57, v0  }
0x209: {  	v3 =	vmul.f32 v4, v3;
	v62 =	vadd.f32 $0.0e+00, v7;
	v38 =	vld [tilespmem:s24+$0x410];
	v2 =	vadd.f32 v32, v63  }
0x20a: {  	v1 =	vadd.f32 v37, v1;
	v37 =	vld [tilespmem:s24+$0x8420];
	v0 =	vadd.f32 v47, v0  }
0x20b: {  	(xrf2) =	vadd.scan.msk.f32 $0xffff, v2;
	v2 =	vadd.f32 v3, v62;
	v47 =	vld [tilespmem:$0x1FD50]  }
0x20c: {  	v32 =	vld [tilespmem:s24+$0x500];
	v0 =	vadd.f32 v61, v0  }
0x20d: {  	v63 =	vmul.f32 v10, v9;
	v2 =	vadd.f32 v52, v2;
	v52 =	vld [tilespmem:$0x1FD70]  }
0x20e: {  	v61 =	vmul.f32 v16, v15;
	v16 =	vmov v53;
	v53 =	vld [tilespmem:$0x1FD80];
	(xrf2) =	vadd.scan.msk.f32 $0xffff, v0  }
0x20f: {  	v9 =	vld [tilespmem:s24+$0x8480];
	v58 =	vadd.f32 $0.0e+00, v63;
	v62 =	vmul.f32 v41, v39  }
0x210: {  	v42 =	vmul.f32 v43, v42;
	v63 =	vld [tilespmem:s24+$0x84C0];
	v7 =	vmul.f32 v47, v46  }
0x211: {  	v57 =	vld [tilespmem:s24+$0x84D0];
	v2 =	vadd.f32 v62, v2;
	v0 =	vadd.f32 v60, v58;
	v47 =	vmul.f32 v50, v49  }
0x212: {  	v39 =	vld [tilespmem:s24+$0x8490];
	v49 =	vadd.f32 $0.0e+00, v61;
	v50 =	vmul.f32 v12, v11;
	v1 =	vadd.f32 v7, v1  }
0x213: {  	p0 =	sne.s32 s26, $0x1F000;
	v3 =	vld [tilespmem:s24+$0x480];
	v58 =	vmul.f32 v59, v56;
	v0 =	vadd.f32 v47, v0;
	v4 =	vmul.f32 v53, v52  }
.Ltmp0:
0x214: {  	v41 =	vld [tilespmem:s24+$0x8400];
	v59 =	vadd.f32 $0.0e+00, v51;
	v60 =	vmul.f32 v24, v13;
	(xrf2) =	vadd.scan.msk.f32 $0xffff, v1;
	v1 =	vadd.f32 v50, v49;
	(pc) =	sbr.rel @p0 .LBB2_2-.Ltmp0, $4  }
0x215: {  	v18 =	vmovc v22;
	v62 =	vmul.f32 v45, v44;
	v44 =	vld [tilespmem:s24+$0x8410];
	v61 =	vmul.f32 v63, v5;
	v0 =	vadd.f32 v4, v0  }
0x216: {  	v45 =	vld [tilespmem:s24+$0x440];
	v63 =	vmul.f32 v55, v40;
	(xrf2) =	vadd.scan.msk.f32 $0xffff, v2;
	v2 =	vadd.f32 v60, v59;
	v1 =	vadd.f32 v58, v1  }
0x217: {  	v15 =	vmov v21;
	v48 =	vmul.f32 v57, v48;
	v46 =	vld [tilespmem:s24+$0x490];
	v51 =	vadd.f32 $0.0e+00, v61;
	v52, _, _ =	vpop (xrf2)  }
0x218: {  	s26 =	sadd.s32 $0x1000, s26;
	v47 =	vld [tilespmem:s24+$0x400];
	v50 =	vmul.f32 v9, v3;
	(xrf2) =	vadd.scan.msk.f32 $0xffff, v0;
	v49 =	vadd.f32 v63, v2;
	v40 =	vadd.f32 v62, v1;
	v21, _, _ =	vpop (xrf2)  }
0x219: {  	v0 =	vld [tilespmem:s24+$0x8440]  }
0x21a: {  	v2 =	vld [tilespmem:s24+$0x450]  }
0x21b: {  	v6 =	vld [tilespmem:s24+$0x8450]  }
0x21c: {  	v9 =	vld [tilespmem:s24+$0x460]  }
0x21d: {  	v11 =	vld [tilespmem:s24+$0x8460]  }
0x21e: {  	v12 =	vld [tilespmem:s24+$0x470]  }
0x21f: {  	v24 =	vmul.f32 v26, v54;
	v26 =	vld [tilespmem:s24+$0x8470]  }
0x220: {  	v25 =	vmul.f32 v28, v25;
	v28 =	vld [tilespmem:s24+$0x8520]  }
0x221: {  	v7 =	vmul.f32 v31, v30;
	v31 =	vld [tilespmem:s24+$0x530]  }
0x222: {  	v30 =	vmul.f32 v33, v32;
	v33 =	vld [tilespmem:s24+$0x8530]  }
0x223: {  	v13 =	vmul.f32 v37, v36;
	v36 =	vld [tilespmem:s24+$0x85E0]  }
0x224: {  	v4 =	vadd.f32 v48, v51;
	v48 =	vld [tilespmem:$0x1FF90]  }
0x225: {  	v51 =	vld [tilespmem:s24+$0x86B0]  }
0x226: {  	v55 =	vld [tilespmem:$0x1FF60]  }
0x227: {  	v56 =	vld [tilespmem:$0x1FF70]  }
0x228: {  	v57 =	vld [tilespmem:s24+$0x8760]  }
0x229: {  	v60 =	vld [tilespmem:$0x1FF30]  }
0x22a: {  	v22 =	vmul.f32 v35, v34;
	v34 =	vmul.f32 v29, v27;
	v61 =	vld [tilespmem:$0x1FF40]  }
0x22b: {  	v35 =	vmul.f32 v23, v14;
	v62 =	vld [tilespmem:s24+$0x770];
	v3 =	vadd.f32 $0.0e+00, v50;
	v5 =	vmul.f32 v41, v47  }
0x22c: {  	v8 =	vadd.f32 v42, v49;
	v42 =	vld [tilespmem:s24+$0x85F0];
	v1 =	vmul.f32 v39, v46;
	v0 =	vmul.f32 v0, v45  }
0x22d: {  	v10 =	vmul.f32 v44, v38;
	v49 =	vld [tilespmem:s24+$0x6B0];
	v4 =	vadd.f32 v7, v4;
	v5 =	vadd.f32 $0.0e+00, v5  }
0x22e: {  	v50 =	vld [tilespmem:$0x1FFA0];
	v1 =	vadd.f32 v1, v3;
	v2 =	vmul.f32 v6, v2;
	v0 =	vadd.f32 $0.0e+00, v0  }
0x22f: {  	v38 =	vmul.f32 v19, v18;
	v39 =	vld [tilespmem:s24+$0x5F0];
	v4 =	vadd.f32 v24, v4;
	v5 =	vadd.f32 v10, v5  }
0x230: {  	v47 =	vld [tilespmem:$0x1FF80];
	v32 =	vmul.f32 v11, v9;
	v1 =	vadd.f32 v22, v1;
	v0 =	vadd.f32 v2, v0  }
0x231: {  	(xrf2) =	vadd.scan.msk.f32 $0xffff, v40;
	v3 =	vadd.f32 $0.0e+00, v30;
	v37 =	vmul.f32 v26, v12;
	v45 =	vld [tilespmem:s24+$0x86A0];
	v5 =	vadd.f32 v13, v5  }
0x232: {  	(xrf2) =	vadd.scan.msk.f32 $0xffff, v8;
	v41 =	vmul.f32 v28, v20;
	v20 =	vld [tilespmem:$0x1FF50];
	v1 =	vadd.f32 v25, v1;
	v0 =	vadd.f32 v32, v0  }
0x233: {  	v44 =	vmul.f32 v16, v15;
	v26 =	vld [tilespmem:$0x1FF20];
	(xrf2) =	vadd.scan.msk.f32 $0xffff, v4;
	v3 =	vadd.f32 v35, v3;
	v40 =	vadd.f32 v34, v5  }
0x234: {  	v43 =	vadd.f32 $0.0e+00, v38;
	v46 =	vmul.f32 v33, v31;
	v33 =	vld [tilespmem:$0x1FEE0];
	(xrf2) =	vadd.scan.msk.f32 $0xffff, v1;
	v0 =	vadd.f32 v37, v0  }
0x235: {  	v3 =	vadd.f32 v41, v3;
	v25 =	vld [tilespmem:$0x1FF10];
	v5 =	vmul.f32 v48, v47;
	(xrf2) =	vadd.scan.msk.f32 $0xffff, v40  }
0x236: {  	v2 =	vmul.f32 v36, v50;
	v1 =	vadd.f32 v44, v43;
	v32 =	vld [tilespmem:$0x1FF00];
	(xrf2) =	vadd.scan.msk.f32 $0xffff, v0  }
0x237: {  	v4 =	vmul.f32 v56, v55;
	v53 =	vadd.f32 v46, v3;
	v34 =	vld [tilespmem:$0x1FEF0];
	v54 =	vadd.f32 $0.0e+00, v5  }
0x238: {  	v58, _, _ =	vpop (xrf2);
	v6 =	vmul.f32 v61, v60;
	v22 =	vld [tilespmem:s24+$0x8770];
	v59 =	vmul.f32 v42, v39;
	v1 =	vadd.f32 v2, v1  }
0x239: {  	v63, _, _ =	vpop (xrf2);
	v37 =	vld [tilespmem:$0x1FED0];
	v3 =	vadd.f32 v4, v54;
	v4 =	vmul.f32 v45, v20;
	(xrf2) =	vadd.scan.msk.f32 $0xffff, v53  }
0x23a: {  	v27 =	vld [tilespmem:s24+$0x7E0];
	v24 =	vadd.f32 $0.0e+00, v6;
	v23, _, _ =	vpop (xrf2);
	v6 =	vmul.f32 v26, v25;
	v1 =	vadd.f32 v59, v1  }
0x23b: {  	v30 =	vld [tilespmem:s24+$0x87E0];
	v29 =	vmul.f32 v51, v49;
	v28, _, _ =	vpop (xrf2);
	v3 =	vadd.f32 v4, v3  }
0x23c: {  	v38 =	vld [tilespmem:s24+$0x87F0];
	v31, _, _ =	vpop (xrf2);
	v2 =	vadd.f32 v6, v24;
	v5 =	vmul.f32 v57, v32;
	v6 =	vmul.f32 v34, v33;
	(xrf2) =	vadd.scan.msk.f32 $0xffff, v1  }
0x23d: {  	v35 =	vld [tilespmem:s24+$0x7F0];
	v40 =	vmul.f32 v22, v62;
	v36, _, _ =	vpop (xrf2);
	v3 =	vadd.f32 v29, v3  }
0x23e: {  	v4 =	vmul.f32 v37, v17;
	v2 =	vadd.f32 v5, v2;
	v6 =	vadd.f32 $0.0e+00, v6;
	v39, _, _ =	vpop (xrf2)  }
0x23f: {  	(xrf2) =	vadd.scan.msk.f32 $0xffff, v3;
	v41, _, _ =	vpop (xrf2)  }
0x240: {  	v43 =	vmul.f32 v30, v27;
	v2 =	vadd.f32 v40, v2;
	v42 =	vadd.f32 v4, v6;
	v44, _, _ =	vpop (xrf2)  }
0x241: {  	v45 =	vbroadcast v41, $0xF;
	v5 =	vbroadcast v44, $0xF  }
0x242: {  	v47 =	vmul.f32 v38, v35;
	v46 =	vbroadcast v39, $0xF;
	v3 =	vadd.f32 v43, v42;
	(xrf2) =	vadd.scan.msk.f32 $0xffff, v2  }
0x243: {  	v1 =	vbroadcast v36, $0xF;
	v49, _, _ =	vpop (xrf2);
	v48 =	vsel vm0, v45, v5  }
0x244: {  	v3 =	vadd.f32 v47, v3;
	v5 =	vbroadcast v49, $0xF;
	v2 =	vsel vm1, v48, v46  }
0x245: {  	v50 =	vbroadcast v31, $0xF;
	v1 =	vsel vm2, v2, v1  }
0x246: {  	v51 =	vbroadcast v28, $0xF;
	v53, _, _ =	vpop (xrf2);
	(xrf2) =	vadd.scan.msk.f32 $0xffff, v3;
	v1 =	vsel vm3, v1, v5  }
0x247: {  	v54 =	vbroadcast v53, $0xF;
	v1 =	vsel vm4, v1, v50  }
0x248: {  	v0 =	vbroadcast v23, $0xF;
	v1 =	vsel vm5, v1, v51  }
0x249: {  	v55 =	vbroadcast v63, $0xF;
	v56, _, _ =	vpop (xrf2);
	v1 =	vsel vm6, v1, v54  }
0x24a: {  	v57 =	vbroadcast v56, $0xF;
	v0 =	vsel vm7, v1, v0  }
0x24b: {  	v58 =	vbroadcast v58, $0xF;
	v0 =	vsel vm8, v0, v55  }
0x24c: {  	v59 =	vbroadcast v21, $0xF;
	v60, _, _ =	vpop (xrf2);
	v0 =	vsel vm9, v0, v57  }
0x24d: {  	v61 =	vbroadcast v60, $0xF;
	v0 =	vsel vm10, v0, v58  }
0x24e: {  	v62 =	vbroadcast v52, $0xF;
	v0 =	vsel vm11, v0, v59  }
0x24f: {  	v0 =	vsel vm12, v0, v61  }
0x250: {  	s23 =	sadd.s32 $0x1, s23;
	v63, _, _ =	vpop (xrf2);
	v0 =	vsel vm13, v0, v62  }
0x251: {  	s26 =	sadd.s32 $0x10, s25;
	p0 =	sne.s32 s23, s14;
	v0 =	vsel vm14, v0, v63  }
.Ltmp1:
0x252: {  	[tilespmem:s26+$0x0] =	vst v0;
	(pc) =	sbr.rel @p0 .LBB2_1-.Ltmp1, $4  }
0x253: {  	[hbm4b:s13+s1] =	stream.linear.scatter [tilespmem:s2], [sflag:$0x2], $0x200, $0x38;
	[tilespmem:$0x10600] =	vst v63  }
0x254: {  	_ =	swait.ge [sflag:s15], $0x200  }
0x255: {  	[sflag:s15] =	ssyncset.done $0x0  }
0x256: {  	[sflag:s15] =	ssyncadd.s32 $0xFFFFFE00  }
0x257: {  	_ =	sfence.sel $0x180000  }
0x258: {  	[bflag:$0x0] =	sbarrier.arrive $0xFFFF  }
0x259: {  	_ =	strace $0x90000047  }
0x25a: {  	s0 =	stileid.u32;
	[bflag:$0x2] =	sbarrier.arrive $0xFFFF  }
0x25b: {  	p0 =	sne.s32 s0, $0x0;
	s0 =	rddreg [dreg:$0x4]  }
0x25c: {  	s0 =	sadd.s32 @!p0 $0x100000, s0  }
0x25d: {  	[sflag:s0] =	ssyncadd.tile.s32 @!p0 $0x1;
	_ =	shalt  }
.Lfunc_end2:
_tile_overlayer_lowered:
.L_overlay_start_2:
0x25e: {  	(tag) =	ssettag $0x2  }
0x25f: {  	s0 =	rddreg [dreg:$0x0];
	s2 =	stileid.u32  }
0x260: {  	s1 =	rddreg [dreg:$0x1];
	p0 =	sne.s32 s2, $0x0  }
0x261: {  	s3 =	rddreg [dreg:$0x2];
	[bflag:$0x3] =	sbarrier.arrive $0xFFFF;
	s2 =	simm.s32 @!p0 $0x1C02  }
0x262: {  	[timem:s3], [sflag:s2] =	dma.local @!p0 [hbm:s0], s1  }
0x263: {  	s0 =	simm.s32 @!p0 $0x2  }
0x264: {  	_ =	swait.ge @!p0 [sflag:s0], s1  }
0x265: {  	s1 =	ssub.s32 @!p0 $0x0, s1;
	[sflag:s0] =	ssyncset.done @!p0 $0x0  }
0x266: {  	[sflag:s0] =	ssyncadd.s32 @!p0 s1  }
0x267: {  	[bflag:$0x3] =	sbarrier.arrive $0xFFFF  }
0x268: {  	_ =	shalt  }

</sc_bundles>
